<compile_context>
chip_gen: v7x
topology: tpu7x:2x2x1
jax: 0.10.2.dev20260603
libtpu: 0.0.44.dev20260713+nightly
codegen_flags: <defaults>
</compile_context>

<pallas_src>
import functools

import jax
import jax.numpy as jnp
from jax import lax
from jax.experimental import pallas as pl
from jax.experimental.pallas import tpu as pltpu
from jax.experimental.pallas import tpu_sc as plsc


@functools.partial(jax.jit, static_argnums=())
def _gather_rows(table, idx):
    V, D = table.shape
    B, S = idx.shape
    N = B * S
    info = plsc.get_sparse_core_info()
    NC, NS = info.num_cores, info.num_subcores
    NW = NC * NS
    b_per_w = N // NW
    blocks_per_row = S // b_per_w
    CHUNK = 32
    NBUF = 5
    GA = 4
    NCHUNK = b_per_w // CHUNK

    mesh = plsc.VectorSubcoreMesh(core_axis_name="c", subcore_axis_name="s")

    @functools.partial(
        pl.kernel,
        mesh=mesh,
        out_type=jax.ShapeDtypeStruct((N, D), jnp.float32),
        scratch_types=[
            pltpu.VMEM((b_per_w,), jnp.int32),
        ]
        + [pltpu.VMEM((CHUNK, D), jnp.float32)] * NBUF
        + [pltpu.SemaphoreType.DMA] * (2 * NBUF),
    )
    def k(table_hbm, idx_hbm, out_hbm, idx_v, *bufs_sems):
        bufs = bufs_sems[:NBUF]
        gsems = bufs_sems[NBUF : 2 * NBUF]
        osems = bufs_sems[2 * NBUF : 3 * NBUF]
        wid = lax.axis_index("s") * NC + lax.axis_index("c")
        base = wid * b_per_w
        pltpu.sync_copy(
            idx_hbm.at[wid // blocks_per_row, pl.ds((wid % blocks_per_row) * b_per_w, b_per_w)],
            idx_v,
        )

        def gather(c):
            return pltpu.async_copy(
                table_hbm.at[idx_v.at[pl.ds(c * CHUNK, CHUNK)]],
                bufs[c % NBUF],
                gsems[c % NBUF],
            )

        def writeout(c):
            return pltpu.async_copy(
                bufs[c % NBUF],
                out_hbm.at[pl.ds(base + c * CHUNK, CHUNK)],
                osems[c % NBUF],
            )

        gcp = {c: gather(c) for c in range(min(GA, NCHUNK))}
        wcp = {}
        for c in range(NCHUNK):
            gcp[c].wait()
            wcp[c] = writeout(c)
            nxt = c + GA
            if nxt < NCHUNK:
                prev = nxt - NBUF
                if prev >= 0:
                    wcp[prev].wait()
                gcp[nxt] = gather(nxt)
        for c in range(max(0, NCHUNK - NBUF), NCHUNK):
            wcp[c].wait()

    return k(table, idx)


def kernel(input_ids, label, attention_mask, table):
    B, S = input_ids.shape
    V, D = table.shape
    out = _gather_rows(table, input_ids.astype(jnp.int32))
    return (out.reshape(B, S, D), label, attention_mask)

# --- scband reference (transcript-rebuilt; emitter-appended) ---
"""Pipeline reference for scband-t5-embeddings-29334626632460 (READ-ONLY COPY).

The authoritative reference and input builder live on the scoring server;
editing this copy changes nothing except your own understanding.
"""

import jax, jax.numpy as jnp
import numpy as np

VOCAB = 32128
D_MODEL = 768
B = 4
S = 2048

def setup_inputs(seed: int = 0) -> dict:
    key = jax.random.key(seed)
    k1, k2, k3 = jax.random.split(key, 3)
    input_ids = jax.random.randint(k1, (B, S), 0, VOCAB, dtype=jnp.int64 if jax.config.jax_enable_x64 else jnp.int32)
    label = jax.random.randint(k2, (B, S), 0, VOCAB, dtype=jnp.int64 if jax.config.jax_enable_x64 else jnp.int32)
    attention_mask = jnp.ones((B, S), dtype=jnp.int32)
    table = jax.random.normal(k3, (VOCAB, D_MODEL), dtype=jnp.float32)
    return {"input_ids": input_ids, "label": label, "attention_mask": attention_mask, "table": table}

def reference(input_ids, label, attention_mask, table):
    # inputs_embeds = self.embeddings(input_ids)  -> gather rows from shared table
    inputs_embeds = jnp.take(table, input_ids, axis=0)
    # dropout in eval mode is identity
    hidden_states = inputs_embeds
    return (hidden_states, label, attention_mask)

if __name__ == "__main__":
    import jax
    _d = setup_inputs()
    print(jax.jit(kernel)(*tuple(_d.values())))

</pallas_src>

<mosaic_0001>
#map = affine_map<(d0, d1) -> (0, 0)>
module attributes {stable_mosaic.version = 14 : i64} {
  func.func @k(%arg0: i32, %arg1: i32, %arg2: memref<32128x768xf32, #tpu.memory_space<hbm>>, %arg3: memref<4x2048xi32, #tpu.memory_space<hbm>>, %arg4: memref<8192x768xf32, #tpu.memory_space<hbm>>, %arg5: memref<256xi32, #tpu.memory_space<vmem>>, %arg6: memref<32x768xf32, #tpu.memory_space<vmem>>, %arg7: memref<32x768xf32, #tpu.memory_space<vmem>>, %arg8: memref<32x768xf32, #tpu.memory_space<vmem>>, %arg9: memref<32x768xf32, #tpu.memory_space<vmem>>, %arg10: memref<32x768xf32, #tpu.memory_space<vmem>>, %arg11: memref<!tpu.dma_semaphore, #tpu.memory_space<semaphore_mem>>, %arg12: memref<!tpu.dma_semaphore, #tpu.memory_space<semaphore_mem>>, %arg13: memref<!tpu.dma_semaphore, #tpu.memory_space<semaphore_mem>>, %arg14: memref<!tpu.dma_semaphore, #tpu.memory_space<semaphore_mem>>, %arg15: memref<!tpu.dma_semaphore, #tpu.memory_space<semaphore_mem>>, %arg16: memref<!tpu.dma_semaphore, #tpu.memory_space<semaphore_mem>>, %arg17: memref<!tpu.dma_semaphore, #tpu.memory_space<semaphore_mem>>, %arg18: memref<!tpu.dma_semaphore, #tpu.memory_space<semaphore_mem>>, %arg19: memref<!tpu.dma_semaphore, #tpu.memory_space<semaphore_mem>>, %arg20: memref<!tpu.dma_semaphore, #tpu.memory_space<semaphore_mem>>) attributes {dimension_semantics = [#tpu.dimension_semantics<core_parallel>, #tpu.dimension_semantics<subcore_parallel>], iteration_bounds = array<i64: 2, 16>, scalar_prefetch = 0 : i64, scratch_operands = 16 : i64, tpu.core_type = #tpu.core_type<sc_vector_subcore>, window_params = [{transform_indices = #map}, {transform_indices = #map}, {transform_indices = #map}]} {
    %mul3A = arith.constant 2 : i32
    %mul3A_0 = arith.muli %arg1, %mul3A : i32
    %add3A = arith.addi %mul3A_0, %arg0 : i32
    %mul3A_1 = arith.constant 256 : i32
    %mul3A_2 = arith.muli %add3A, %mul3A_1 : i32
    %jit3A = arith.constant 8 : i32
    %div3A = arith.divsi %add3A, %jit3A : i32
    %sign3A = arith.constant 0 : i32
    %sign3A_3 = arith.cmpi sgt, %add3A, %sign3A : i32
    %sign3A_4 = arith.extui %sign3A_3 : i1 to i32
    %sign3A_5 = arith.constant 0 : i32
    %sign3A_6 = arith.cmpi slt, %add3A, %sign3A_5 : i32
    %sign3A_7 = arith.extui %sign3A_6 : i1 to i32
    %sign3A_8 = arith.subi %sign3A_4, %sign3A_7 : i32
    %sign3A_9 = arith.constant 0 : i32
    %sign3A_10 = arith.cmpi sgt, %jit3A, %sign3A_9 : i32
    %sign3A_11 = arith.extui %sign3A_10 : i1 to i32
    %sign3A_12 = arith.constant 0 : i32
    %sign3A_13 = arith.cmpi slt, %jit3A, %sign3A_12 : i32
    %sign3A_14 = arith.extui %sign3A_13 : i1 to i32
    %sign3A_15 = arith.subi %sign3A_11, %sign3A_14 : i32
    %ne3A = arith.cmpi ne, %sign3A_8, %sign3A_15 : i32
    %rem3A = arith.remsi %add3A, %jit3A : i32
    %ne3A_16 = arith.constant 0 : i32
    %ne3A_17 = arith.cmpi ne, %rem3A, %ne3A_16 : i32
    %and3A = arith.andi %ne3A, %ne3A_17 : i1
    %sub3A = arith.constant 1 : i32
    %sub3A_18 = arith.subi %div3A, %sub3A : i32
    %select_n3A = arith.select %and3A, %sub3A_18, %div3A : i32
    %jit3A_19 = arith.constant 8 : i32
    %eq3A = arith.constant 0 : i32
    %eq3A_20 = arith.cmpi eq, %jit3A_19, %eq3A : i32
    %jit3A_21 = arith.constant 1 : i32
    %select_n3A_22 = arith.select %eq3A_20, %jit3A_21, %jit3A_19 : i32
    %rem3A_23 = arith.remsi %add3A, %select_n3A_22 : i32
    %ne3A_24 = arith.constant 0 : i32
    %ne3A_25 = arith.cmpi ne, %rem3A_23, %ne3A_24 : i32
    %lt3A = arith.constant 0 : i32
    %lt3A_26 = arith.cmpi slt, %rem3A_23, %lt3A : i32
    %lt3A_27 = arith.constant 0 : i32
    %lt3A_28 = arith.cmpi slt, %select_n3A_22, %lt3A_27 : i32
    %ne3A_29 = arith.xori %lt3A_26, %lt3A_28 : i1
    %and3A_30 = arith.andi %ne3A_29, %ne3A_25 : i1
    %add3A_31 = arith.addi %rem3A_23, %select_n3A_22 : i32
    %select_n3A_32 = arith.select %and3A_30, %add3A_31, %rem3A_23 : i32
    %mul3A_33 = arith.constant 256 : i32
    %mul3A_34 = arith.muli %select_n3A_32, %mul3A_33 : i32
    "tpu.region"() ({
      %run_scoped3A = tpu.sem_alloc : memref<!tpu.dma_semaphore, #tpu.memory_space<semaphore_mem>>
      %dma_start3A_193 = tpu.memref_slice %arg3[%select_n3A, %mul3A_34] : memref<4x2048xi32, #tpu.memory_space<hbm>> -> memref<1x256xi32, #tpu.memory_space<hbm>>
      %dma_start3A_194 = tpu.memref_squeeze %dma_start3A_193 : memref<1x256xi32, #tpu.memory_space<hbm>> -> memref<256xi32, #tpu.memory_space<hbm>>
      %dma_start3A_195 = tpu.memref_slice %arg3[%select_n3A, %mul3A_34] : memref<4x2048xi32, #tpu.memory_space<hbm>> -> memref<1x256xi32, #tpu.memory_space<hbm>>
      %dma_start3A_196 = tpu.memref_squeeze %dma_start3A_195 : memref<1x256xi32, #tpu.memory_space<hbm>> -> memref<256xi32, #tpu.memory_space<hbm>>
      tpu.enqueue_dma source(%dma_start3A_196 : memref<256xi32, #tpu.memory_space<hbm>>) target(%arg5 : memref<256xi32, #tpu.memory_space<vmem>>) target_semaphore(%run_scoped3A : memref<!tpu.dma_semaphore, #tpu.memory_space<semaphore_mem>>)
      %dma_wait3A_197 = tpu.memref_slice %arg3[%select_n3A, %mul3A_34] : memref<4x2048xi32, #tpu.memory_space<hbm>> -> memref<1x256xi32, #tpu.memory_space<hbm>>
      %dma_wait3A_198 = tpu.memref_squeeze %dma_wait3A_197 : memref<1x256xi32, #tpu.memory_space<hbm>> -> memref<256xi32, #tpu.memory_space<hbm>>
      %dma_wait3A_199 = tpu.memref_slice %arg3[%select_n3A, %mul3A_34] : memref<4x2048xi32, #tpu.memory_space<hbm>> -> memref<1x256xi32, #tpu.memory_space<hbm>>
      %dma_wait3A_200 = tpu.memref_squeeze %dma_wait3A_199 : memref<1x256xi32, #tpu.memory_space<hbm>> -> memref<256xi32, #tpu.memory_space<hbm>>
      tpu.wait_dma2 semaphore(%run_scoped3A : memref<!tpu.dma_semaphore, #tpu.memory_space<semaphore_mem>>) src(%dma_wait3A_200 : memref<256xi32, #tpu.memory_space<hbm>>) dst(%arg5 : memref<256xi32, #tpu.memory_space<vmem>>)
      tpu.yield
    }) : () -> ()
    %dma_start3A = arith.constant 0 : i32
    %dma_start3A_35 = tpu.memref_slice %arg5[%dma_start3A] : memref<256xi32, #tpu.memory_space<vmem>> -> memref<32xi32, #tpu.memory_space<vmem>>
    %dma_start3A_36 = arith.constant 0 : i32
    %dma_start3A_37 = arith.constant 0 : i32
    %dma_start3A_38 = tpu.memref_slice %arg2[%dma_start3A_36, %dma_start3A_37] : memref<32128x768xf32, #tpu.memory_space<hbm>> -> memref<32128x768xf32, #tpu.memory_space<hbm>>
    tpu.enqueue_indirect_dma source(%dma_start3A_38 : memref<32128x768xf32, #tpu.memory_space<hbm>>) target(%arg6 : memref<32x768xf32, #tpu.memory_space<vmem>>) offsets(%dma_start3A_35 : memref<32xi32, #tpu.memory_space<vmem>>) semaphore(%arg11 : memref<!tpu.dma_semaphore, #tpu.memory_space<semaphore_mem>>)
    %dma_start3A_39 = arith.constant 32 : i32
    %dma_start3A_40 = tpu.memref_slice %arg5[%dma_start3A_39] : memref<256xi32, #tpu.memory_space<vmem>> -> memref<32xi32, #tpu.memory_space<vmem>>
    %dma_start3A_41 = arith.constant 0 : i32
    %dma_start3A_42 = arith.constant 0 : i32
    %dma_start3A_43 = tpu.memref_slice %arg2[%dma_start3A_41, %dma_start3A_42] : memref<32128x768xf32, #tpu.memory_space<hbm>> -> memref<32128x768xf32, #tpu.memory_space<hbm>>
    tpu.enqueue_indirect_dma source(%dma_start3A_43 : memref<32128x768xf32, #tpu.memory_space<hbm>>) target(%arg7 : memref<32x768xf32, #tpu.memory_space<vmem>>) offsets(%dma_start3A_40 : memref<32xi32, #tpu.memory_space<vmem>>) semaphore(%arg12 : memref<!tpu.dma_semaphore, #tpu.memory_space<semaphore_mem>>)
    %dma_start3A_44 = arith.constant 64 : i32
    %dma_start3A_45 = tpu.memref_slice %arg5[%dma_start3A_44] : memref<256xi32, #tpu.memory_space<vmem>> -> memref<32xi32, #tpu.memory_space<vmem>>
    %dma_start3A_46 = arith.constant 0 : i32
    %dma_start3A_47 = arith.constant 0 : i32
    %dma_start3A_48 = tpu.memref_slice %arg2[%dma_start3A_46, %dma_start3A_47] : memref<32128x768xf32, #tpu.memory_space<hbm>> -> memref<32128x768xf32, #tpu.memory_space<hbm>>
    tpu.enqueue_indirect_dma source(%dma_start3A_48 : memref<32128x768xf32, #tpu.memory_space<hbm>>) target(%arg8 : memref<32x768xf32, #tpu.memory_space<vmem>>) offsets(%dma_start3A_45 : memref<32xi32, #tpu.memory_space<vmem>>) semaphore(%arg13 : memref<!tpu.dma_semaphore, #tpu.memory_space<semaphore_mem>>)
    %dma_start3A_49 = arith.constant 96 : i32
    %dma_start3A_50 = tpu.memref_slice %arg5[%dma_start3A_49] : memref<256xi32, #tpu.memory_space<vmem>> -> memref<32xi32, #tpu.memory_space<vmem>>
    %dma_start3A_51 = arith.constant 0 : i32
    %dma_start3A_52 = arith.constant 0 : i32
    %dma_start3A_53 = tpu.memref_slice %arg2[%dma_start3A_51, %dma_start3A_52] : memref<32128x768xf32, #tpu.memory_space<hbm>> -> memref<32128x768xf32, #tpu.memory_space<hbm>>
    tpu.enqueue_indirect_dma source(%dma_start3A_53 : memref<32128x768xf32, #tpu.memory_space<hbm>>) target(%arg9 : memref<32x768xf32, #tpu.memory_space<vmem>>) offsets(%dma_start3A_50 : memref<32xi32, #tpu.memory_space<vmem>>) semaphore(%arg14 : memref<!tpu.dma_semaphore, #tpu.memory_space<semaphore_mem>>)
    %dma_wait3A = arith.constant 0 : i32
    %dma_wait3A_54 = tpu.memref_slice %arg5[%dma_wait3A] : memref<256xi32, #tpu.memory_space<vmem>> -> memref<32xi32, #tpu.memory_space<vmem>>
    %dma_wait3A_55 = arith.constant 0 : i32
    %dma_wait3A_56 = arith.constant 0 : i32
    %dma_wait3A_57 = tpu.memref_slice %arg2[%dma_wait3A_55, %dma_wait3A_56] : memref<32128x768xf32, #tpu.memory_space<hbm>> -> memref<32128x768xf32, #tpu.memory_space<hbm>>
    tpu.wait_indirect_dma semaphore(%arg11 : memref<!tpu.dma_semaphore, #tpu.memory_space<semaphore_mem>>) src(%dma_wait3A_57 : memref<32128x768xf32, #tpu.memory_space<hbm>>) dst(%arg6 : memref<32x768xf32, #tpu.memory_space<vmem>>)
    %add3A_58 = arith.constant 0 : i32
    %add3A_59 = arith.addi %mul3A_2, %add3A_58 : i32
    %dma_start3A_60 = arith.constant 0 : i32
    %dma_start3A_61 = tpu.memref_slice %arg4[%add3A_59, %dma_start3A_60] : memref<8192x768xf32, #tpu.memory_space<hbm>> -> memref<32x768xf32, #tpu.memory_space<hbm>>
    %dma_start3A_62 = arith.constant 0 : i32
    %dma_start3A_63 = tpu.memref_slice %arg4[%add3A_59, %dma_start3A_62] : memref<8192x768xf32, #tpu.memory_space<hbm>> -> memref<32x768xf32, #tpu.memory_space<hbm>>
    tpu.enqueue_dma source(%arg6 : memref<32x768xf32, #tpu.memory_space<vmem>>) target(%dma_start3A_63 : memref<32x768xf32, #tpu.memory_space<hbm>>) target_semaphore(%arg16 : memref<!tpu.dma_semaphore, #tpu.memory_space<semaphore_mem>>)
    %dma_start3A_64 = arith.constant 128 : i32
    %dma_start3A_65 = tpu.memref_slice %arg5[%dma_start3A_64] : memref<256xi32, #tpu.memory_space<vmem>> -> memref<32xi32, #tpu.memory_space<vmem>>
    %dma_start3A_66 = arith.constant 0 : i32
    %dma_start3A_67 = arith.constant 0 : i32
    %dma_start3A_68 = tpu.memref_slice %arg2[%dma_start3A_66, %dma_start3A_67] : memref<32128x768xf32, #tpu.memory_space<hbm>> -> memref<32128x768xf32, #tpu.memory_space<hbm>>
    tpu.enqueue_indirect_dma source(%dma_start3A_68 : memref<32128x768xf32, #tpu.memory_space<hbm>>) target(%arg10 : memref<32x768xf32, #tpu.memory_space<vmem>>) offsets(%dma_start3A_65 : memref<32xi32, #tpu.memory_space<vmem>>) semaphore(%arg15 : memref<!tpu.dma_semaphore, #tpu.memory_space<semaphore_mem>>)
    %dma_wait3A_69 = arith.constant 32 : i32
    %dma_wait3A_70 = tpu.memref_slice %arg5[%dma_wait3A_69] : memref<256xi32, #tpu.memory_space<vmem>> -> memref<32xi32, #tpu.memory_space<vmem>>
    %dma_wait3A_71 = arith.constant 0 : i32
    %dma_wait3A_72 = arith.constant 0 : i32
    %dma_wait3A_73 = tpu.memref_slice %arg2[%dma_wait3A_71, %dma_wait3A_72] : memref<32128x768xf32, #tpu.memory_space<hbm>> -> memref<32128x768xf32, #tpu.memory_space<hbm>>
    tpu.wait_indirect_dma semaphore(%arg12 : memref<!tpu.dma_semaphore, #tpu.memory_space<semaphore_mem>>) src(%dma_wait3A_73 : memref<32128x768xf32, #tpu.memory_space<hbm>>) dst(%arg7 : memref<32x768xf32, #tpu.memory_space<vmem>>)
    %add3A_74 = arith.constant 32 : i32
    %add3A_75 = arith.addi %mul3A_2, %add3A_74 : i32
    %dma_start3A_76 = arith.constant 0 : i32
    %dma_start3A_77 = tpu.memref_slice %arg4[%add3A_75, %dma_start3A_76] : memref<8192x768xf32, #tpu.memory_space<hbm>> -> memref<32x768xf32, #tpu.memory_space<hbm>>
    %dma_start3A_78 = arith.constant 0 : i32
    %dma_start3A_79 = tpu.memref_slice %arg4[%add3A_75, %dma_start3A_78] : memref<8192x768xf32, #tpu.memory_space<hbm>> -> memref<32x768xf32, #tpu.memory_space<hbm>>
    tpu.enqueue_dma source(%arg7 : memref<32x768xf32, #tpu.memory_space<vmem>>) target(%dma_start3A_79 : memref<32x768xf32, #tpu.memory_space<hbm>>) target_semaphore(%arg17 : memref<!tpu.dma_semaphore, #tpu.memory_space<semaphore_mem>>)
    %dma_wait3A_80 = arith.constant 0 : i32
    %dma_wait3A_81 = tpu.memref_slice %arg4[%add3A_59, %dma_wait3A_80] : memref<8192x768xf32, #tpu.memory_space<hbm>> -> memref<32x768xf32, #tpu.memory_space<hbm>>
    %dma_wait3A_82 = arith.constant 0 : i32
    %dma_wait3A_83 = tpu.memref_slice %arg4[%add3A_59, %dma_wait3A_82] : memref<8192x768xf32, #tpu.memory_space<hbm>> -> memref<32x768xf32, #tpu.memory_space<hbm>>
    tpu.wait_dma2 semaphore(%arg16 : memref<!tpu.dma_semaphore, #tpu.memory_space<semaphore_mem>>) src(%arg6 : memref<32x768xf32, #tpu.memory_space<vmem>>) dst(%dma_wait3A_83 : memref<32x768xf32, #tpu.memory_space<hbm>>)
    %dma_start3A_84 = arith.constant 160 : i32
    %dma_start3A_85 = tpu.memref_slice %arg5[%dma_start3A_84] : memref<256xi32, #tpu.memory_space<vmem>> -> memref<32xi32, #tpu.memory_space<vmem>>
    %dma_start3A_86 = arith.constant 0 : i32
    %dma_start3A_87 = arith.constant 0 : i32
    %dma_start3A_88 = tpu.memref_slice %arg2[%dma_start3A_86, %dma_start3A_87] : memref<32128x768xf32, #tpu.memory_space<hbm>> -> memref<32128x768xf32, #tpu.memory_space<hbm>>
    tpu.enqueue_indirect_dma source(%dma_start3A_88 : memref<32128x768xf32, #tpu.memory_space<hbm>>) target(%arg6 : memref<32x768xf32, #tpu.memory_space<vmem>>) offsets(%dma_start3A_85 : memref<32xi32, #tpu.memory_space<vmem>>) semaphore(%arg11 : memref<!tpu.dma_semaphore, #tpu.memory_space<semaphore_mem>>)
    %dma_wait3A_89 = arith.constant 64 : i32
    %dma_wait3A_90 = tpu.memref_slice %arg5[%dma_wait3A_89] : memref<256xi32, #tpu.memory_space<vmem>> -> memref<32xi32, #tpu.memory_space<vmem>>
    %dma_wait3A_91 = arith.constant 0 : i32
    %dma_wait3A_92 = arith.constant 0 : i32
    %dma_wait3A_93 = tpu.memref_slice %arg2[%dma_wait3A_91, %dma_wait3A_92] : memref<32128x768xf32, #tpu.memory_space<hbm>> -> memref<32128x768xf32, #tpu.memory_space<hbm>>
    tpu.wait_indirect_dma semaphore(%arg13 : memref<!tpu.dma_semaphore, #tpu.memory_space<semaphore_mem>>) src(%dma_wait3A_93 : memref<32128x768xf32, #tpu.memory_space<hbm>>) dst(%arg8 : memref<32x768xf32, #tpu.memory_space<vmem>>)
    %add3A_94 = arith.constant 64 : i32
    %add3A_95 = arith.addi %mul3A_2, %add3A_94 : i32
    %dma_start3A_96 = arith.constant 0 : i32
    %dma_start3A_97 = tpu.memref_slice %arg4[%add3A_95, %dma_start3A_96] : memref<8192x768xf32, #tpu.memory_space<hbm>> -> memref<32x768xf32, #tpu.memory_space<hbm>>
    %dma_start3A_98 = arith.constant 0 : i32
    %dma_start3A_99 = tpu.memref_slice %arg4[%add3A_95, %dma_start3A_98] : memref<8192x768xf32, #tpu.memory_space<hbm>> -> memref<32x768xf32, #tpu.memory_space<hbm>>
    tpu.enqueue_dma source(%arg8 : memref<32x768xf32, #tpu.memory_space<vmem>>) target(%dma_start3A_99 : memref<32x768xf32, #tpu.memory_space<hbm>>) target_semaphore(%arg18 : memref<!tpu.dma_semaphore, #tpu.memory_space<semaphore_mem>>)
    %dma_wait3A_100 = arith.constant 0 : i32
    %dma_wait3A_101 = tpu.memref_slice %arg4[%add3A_75, %dma_wait3A_100] : memref<8192x768xf32, #tpu.memory_space<hbm>> -> memref<32x768xf32, #tpu.memory_space<hbm>>
    %dma_wait3A_102 = arith.constant 0 : i32
    %dma_wait3A_103 = tpu.memref_slice %arg4[%add3A_75, %dma_wait3A_102] : memref<8192x768xf32, #tpu.memory_space<hbm>> -> memref<32x768xf32, #tpu.memory_space<hbm>>
    tpu.wait_dma2 semaphore(%arg17 : memref<!tpu.dma_semaphore, #tpu.memory_space<semaphore_mem>>) src(%arg7 : memref<32x768xf32, #tpu.memory_space<vmem>>) dst(%dma_wait3A_103 : memref<32x768xf32, #tpu.memory_space<hbm>>)
    %dma_start3A_104 = arith.constant 192 : i32
    %dma_start3A_105 = tpu.memref_slice %arg5[%dma_start3A_104] : memref<256xi32, #tpu.memory_space<vmem>> -> memref<32xi32, #tpu.memory_space<vmem>>
    %dma_start3A_106 = arith.constant 0 : i32
    %dma_start3A_107 = arith.constant 0 : i32
    %dma_start3A_108 = tpu.memref_slice %arg2[%dma_start3A_106, %dma_start3A_107] : memref<32128x768xf32, #tpu.memory_space<hbm>> -> memref<32128x768xf32, #tpu.memory_space<hbm>>
    tpu.enqueue_indirect_dma source(%dma_start3A_108 : memref<32128x768xf32, #tpu.memory_space<hbm>>) target(%arg7 : memref<32x768xf32, #tpu.memory_space<vmem>>) offsets(%dma_start3A_105 : memref<32xi32, #tpu.memory_space<vmem>>) semaphore(%arg12 : memref<!tpu.dma_semaphore, #tpu.memory_space<semaphore_mem>>)
    %dma_wait3A_109 = arith.constant 96 : i32
    %dma_wait3A_110 = tpu.memref_slice %arg5[%dma_wait3A_109] : memref<256xi32, #tpu.memory_space<vmem>> -> memref<32xi32, #tpu.memory_space<vmem>>
    %dma_wait3A_111 = arith.constant 0 : i32
    %dma_wait3A_112 = arith.constant 0 : i32
    %dma_wait3A_113 = tpu.memref_slice %arg2[%dma_wait3A_111, %dma_wait3A_112] : memref<32128x768xf32, #tpu.memory_space<hbm>> -> memref<32128x768xf32, #tpu.memory_space<hbm>>
    tpu.wait_indirect_dma semaphore(%arg14 : memref<!tpu.dma_semaphore, #tpu.memory_space<semaphore_mem>>) src(%dma_wait3A_113 : memref<32128x768xf32, #tpu.memory_space<hbm>>) dst(%arg9 : memref<32x768xf32, #tpu.memory_space<vmem>>)
    %add3A_114 = arith.constant 96 : i32
    %add3A_115 = arith.addi %mul3A_2, %add3A_114 : i32
    %dma_start3A_116 = arith.constant 0 : i32
    %dma_start3A_117 = tpu.memref_slice %arg4[%add3A_115, %dma_start3A_116] : memref<8192x768xf32, #tpu.memory_space<hbm>> -> memref<32x768xf32, #tpu.memory_space<hbm>>
    %dma_start3A_118 = arith.constant 0 : i32
    %dma_start3A_119 = tpu.memref_slice %arg4[%add3A_115, %dma_start3A_118] : memref<8192x768xf32, #tpu.memory_space<hbm>> -> memref<32x768xf32, #tpu.memory_space<hbm>>
    tpu.enqueue_dma source(%arg9 : memref<32x768xf32, #tpu.memory_space<vmem>>) target(%dma_start3A_119 : memref<32x768xf32, #tpu.memory_space<hbm>>) target_semaphore(%arg19 : memref<!tpu.dma_semaphore, #tpu.memory_space<semaphore_mem>>)
    %dma_wait3A_120 = arith.constant 0 : i32
    %dma_wait3A_121 = tpu.memref_slice %arg4[%add3A_95, %dma_wait3A_120] : memref<8192x768xf32, #tpu.memory_space<hbm>> -> memref<32x768xf32, #tpu.memory_space<hbm>>
    %dma_wait3A_122 = arith.constant 0 : i32
    %dma_wait3A_123 = tpu.memref_slice %arg4[%add3A_95, %dma_wait3A_122] : memref<8192x768xf32, #tpu.memory_space<hbm>> -> memref<32x768xf32, #tpu.memory_space<hbm>>
    tpu.wait_dma2 semaphore(%arg18 : memref<!tpu.dma_semaphore, #tpu.memory_space<semaphore_mem>>) src(%arg8 : memref<32x768xf32, #tpu.memory_space<vmem>>) dst(%dma_wait3A_123 : memref<32x768xf32, #tpu.memory_space<hbm>>)
    %dma_start3A_124 = arith.constant 224 : i32
    %dma_start3A_125 = tpu.memref_slice %arg5[%dma_start3A_124] : memref<256xi32, #tpu.memory_space<vmem>> -> memref<32xi32, #tpu.memory_space<vmem>>
    %dma_start3A_126 = arith.constant 0 : i32
    %dma_start3A_127 = arith.constant 0 : i32
    %dma_start3A_128 = tpu.memref_slice %arg2[%dma_start3A_126, %dma_start3A_127] : memref<32128x768xf32, #tpu.memory_space<hbm>> -> memref<32128x768xf32, #tpu.memory_space<hbm>>
    tpu.enqueue_indirect_dma source(%dma_start3A_128 : memref<32128x768xf32, #tpu.memory_space<hbm>>) target(%arg8 : memref<32x768xf32, #tpu.memory_space<vmem>>) offsets(%dma_start3A_125 : memref<32xi32, #tpu.memory_space<vmem>>) semaphore(%arg13 : memref<!tpu.dma_semaphore, #tpu.memory_space<semaphore_mem>>)
    %dma_wait3A_129 = arith.constant 128 : i32
    %dma_wait3A_130 = tpu.memref_slice %arg5[%dma_wait3A_129] : memref<256xi32, #tpu.memory_space<vmem>> -> memref<32xi32, #tpu.memory_space<vmem>>
    %dma_wait3A_131 = arith.constant 0 : i32
    %dma_wait3A_132 = arith.constant 0 : i32
    %dma_wait3A_133 = tpu.memref_slice %arg2[%dma_wait3A_131, %dma_wait3A_132] : memref<32128x768xf32, #tpu.memory_space<hbm>> -> memref<32128x768xf32, #tpu.memory_space<hbm>>
    tpu.wait_indirect_dma semaphore(%arg15 : memref<!tpu.dma_semaphore, #tpu.memory_space<semaphore_mem>>) src(%dma_wait3A_133 : memref<32128x768xf32, #tpu.memory_space<hbm>>) dst(%arg10 : memref<32x768xf32, #tpu.memory_space<vmem>>)
    %add3A_134 = arith.constant 128 : i32
    %add3A_135 = arith.addi %mul3A_2, %add3A_134 : i32
    %dma_start3A_136 = arith.constant 0 : i32
    %dma_start3A_137 = tpu.memref_slice %arg4[%add3A_135, %dma_start3A_136] : memref<8192x768xf32, #tpu.memory_space<hbm>> -> memref<32x768xf32, #tpu.memory_space<hbm>>
    %dma_start3A_138 = arith.constant 0 : i32
    %dma_start3A_139 = tpu.memref_slice %arg4[%add3A_135, %dma_start3A_138] : memref<8192x768xf32, #tpu.memory_space<hbm>> -> memref<32x768xf32, #tpu.memory_space<hbm>>
    tpu.enqueue_dma source(%arg10 : memref<32x768xf32, #tpu.memory_space<vmem>>) target(%dma_start3A_139 : memref<32x768xf32, #tpu.memory_space<hbm>>) target_semaphore(%arg20 : memref<!tpu.dma_semaphore, #tpu.memory_space<semaphore_mem>>)
    %dma_wait3A_140 = arith.constant 160 : i32
    %dma_wait3A_141 = tpu.memref_slice %arg5[%dma_wait3A_140] : memref<256xi32, #tpu.memory_space<vmem>> -> memref<32xi32, #tpu.memory_space<vmem>>
    %dma_wait3A_142 = arith.constant 0 : i32
    %dma_wait3A_143 = arith.constant 0 : i32
    %dma_wait3A_144 = tpu.memref_slice %arg2[%dma_wait3A_142, %dma_wait3A_143] : memref<32128x768xf32, #tpu.memory_space<hbm>> -> memref<32128x768xf32, #tpu.memory_space<hbm>>
    tpu.wait_indirect_dma semaphore(%arg11 : memref<!tpu.dma_semaphore, #tpu.memory_space<semaphore_mem>>) src(%dma_wait3A_144 : memref<32128x768xf32, #tpu.memory_space<hbm>>) dst(%arg6 : memref<32x768xf32, #tpu.memory_space<vmem>>)
    %add3A_145 = arith.constant 160 : i32
    %add3A_146 = arith.addi %mul3A_2, %add3A_145 : i32
    %dma_start3A_147 = arith.constant 0 : i32
    %dma_start3A_148 = tpu.memref_slice %arg4[%add3A_146, %dma_start3A_147] : memref<8192x768xf32, #tpu.memory_space<hbm>> -> memref<32x768xf32, #tpu.memory_space<hbm>>
    %dma_start3A_149 = arith.constant 0 : i32
    %dma_start3A_150 = tpu.memref_slice %arg4[%add3A_146, %dma_start3A_149] : memref<8192x768xf32, #tpu.memory_space<hbm>> -> memref<32x768xf32, #tpu.memory_space<hbm>>
    tpu.enqueue_dma source(%arg6 : memref<32x768xf32, #tpu.memory_space<vmem>>) target(%dma_start3A_150 : memref<32x768xf32, #tpu.memory_space<hbm>>) target_semaphore(%arg16 : memref<!tpu.dma_semaphore, #tpu.memory_space<semaphore_mem>>)
    %dma_wait3A_151 = arith.constant 192 : i32
    %dma_wait3A_152 = tpu.memref_slice %arg5[%dma_wait3A_151] : memref<256xi32, #tpu.memory_space<vmem>> -> memref<32xi32, #tpu.memory_space<vmem>>
    %dma_wait3A_153 = arith.constant 0 : i32
    %dma_wait3A_154 = arith.constant 0 : i32
    %dma_wait3A_155 = tpu.memref_slice %arg2[%dma_wait3A_153, %dma_wait3A_154] : memref<32128x768xf32, #tpu.memory_space<hbm>> -> memref<32128x768xf32, #tpu.memory_space<hbm>>
    tpu.wait_indirect_dma semaphore(%arg12 : memref<!tpu.dma_semaphore, #tpu.memory_space<semaphore_mem>>) src(%dma_wait3A_155 : memref<32128x768xf32, #tpu.memory_space<hbm>>) dst(%arg7 : memref<32x768xf32, #tpu.memory_space<vmem>>)
    %add3A_156 = arith.constant 192 : i32
    %add3A_157 = arith.addi %mul3A_2, %add3A_156 : i32
    %dma_start3A_158 = arith.constant 0 : i32
    %dma_start3A_159 = tpu.memref_slice %arg4[%add3A_157, %dma_start3A_158] : memref<8192x768xf32, #tpu.memory_space<hbm>> -> memref<32x768xf32, #tpu.memory_space<hbm>>
    %dma_start3A_160 = arith.constant 0 : i32
    %dma_start3A_161 = tpu.memref_slice %arg4[%add3A_157, %dma_start3A_160] : memref<8192x768xf32, #tpu.memory_space<hbm>> -> memref<32x768xf32, #tpu.memory_space<hbm>>
    tpu.enqueue_dma source(%arg7 : memref<32x768xf32, #tpu.memory_space<vmem>>) target(%dma_start3A_161 : memref<32x768xf32, #tpu.memory_space<hbm>>) target_semaphore(%arg17 : memref<!tpu.dma_semaphore, #tpu.memory_space<semaphore_mem>>)
    %dma_wait3A_162 = arith.constant 224 : i32
    %dma_wait3A_163 = tpu.memref_slice %arg5[%dma_wait3A_162] : memref<256xi32, #tpu.memory_space<vmem>> -> memref<32xi32, #tpu.memory_space<vmem>>
    %dma_wait3A_164 = arith.constant 0 : i32
    %dma_wait3A_165 = arith.constant 0 : i32
    %dma_wait3A_166 = tpu.memref_slice %arg2[%dma_wait3A_164, %dma_wait3A_165] : memref<32128x768xf32, #tpu.memory_space<hbm>> -> memref<32128x768xf32, #tpu.memory_space<hbm>>
    tpu.wait_indirect_dma semaphore(%arg13 : memref<!tpu.dma_semaphore, #tpu.memory_space<semaphore_mem>>) src(%dma_wait3A_166 : memref<32128x768xf32, #tpu.memory_space<hbm>>) dst(%arg8 : memref<32x768xf32, #tpu.memory_space<vmem>>)
    %add3A_167 = arith.constant 224 : i32
    %add3A_168 = arith.addi %mul3A_2, %add3A_167 : i32
    %dma_start3A_169 = arith.constant 0 : i32
    %dma_start3A_170 = tpu.memref_slice %arg4[%add3A_168, %dma_start3A_169] : memref<8192x768xf32, #tpu.memory_space<hbm>> -> memref<32x768xf32, #tpu.memory_space<hbm>>
    %dma_start3A_171 = arith.constant 0 : i32
    %dma_start3A_172 = tpu.memref_slice %arg4[%add3A_168, %dma_start3A_171] : memref<8192x768xf32, #tpu.memory_space<hbm>> -> memref<32x768xf32, #tpu.memory_space<hbm>>
    tpu.enqueue_dma source(%arg8 : memref<32x768xf32, #tpu.memory_space<vmem>>) target(%dma_start3A_172 : memref<32x768xf32, #tpu.memory_space<hbm>>) target_semaphore(%arg18 : memref<!tpu.dma_semaphore, #tpu.memory_space<semaphore_mem>>)
    %dma_wait3A_173 = arith.constant 0 : i32
    %dma_wait3A_174 = tpu.memref_slice %arg4[%add3A_115, %dma_wait3A_173] : memref<8192x768xf32, #tpu.memory_space<hbm>> -> memref<32x768xf32, #tpu.memory_space<hbm>>
    %dma_wait3A_175 = arith.constant 0 : i32
    %dma_wait3A_176 = tpu.memref_slice %arg4[%add3A_115, %dma_wait3A_175] : memref<8192x768xf32, #tpu.memory_space<hbm>> -> memref<32x768xf32, #tpu.memory_space<hbm>>
    tpu.wait_dma2 semaphore(%arg19 : memref<!tpu.dma_semaphore, #tpu.memory_space<semaphore_mem>>) src(%arg9 : memref<32x768xf32, #tpu.memory_space<vmem>>) dst(%dma_wait3A_176 : memref<32x768xf32, #tpu.memory_space<hbm>>)
    %dma_wait3A_177 = arith.constant 0 : i32
    %dma_wait3A_178 = tpu.memref_slice %arg4[%add3A_135, %dma_wait3A_177] : memref<8192x768xf32, #tpu.memory_space<hbm>> -> memref<32x768xf32, #tpu.memory_space<hbm>>
    %dma_wait3A_179 = arith.constant 0 : i32
    %dma_wait3A_180 = tpu.memref_slice %arg4[%add3A_135, %dma_wait3A_179] : memref<8192x768xf32, #tpu.memory_space<hbm>> -> memref<32x768xf32, #tpu.memory_space<hbm>>
    tpu.wait_dma2 semaphore(%arg20 : memref<!tpu.dma_semaphore, #tpu.memory_space<semaphore_mem>>) src(%arg10 : memref<32x768xf32, #tpu.memory_space<vmem>>) dst(%dma_wait3A_180 : memref<32x768xf32, #tpu.memory_space<hbm>>)
    %dma_wait3A_181 = arith.constant 0 : i32
    %dma_wait3A_182 = tpu.memref_slice %arg4[%add3A_146, %dma_wait3A_181] : memref<8192x768xf32, #tpu.memory_space<hbm>> -> memref<32x768xf32, #tpu.memory_space<hbm>>
    %dma_wait3A_183 = arith.constant 0 : i32
    %dma_wait3A_184 = tpu.memref_slice %arg4[%add3A_146, %dma_wait3A_183] : memref<8192x768xf32, #tpu.memory_space<hbm>> -> memref<32x768xf32, #tpu.memory_space<hbm>>
    tpu.wait_dma2 semaphore(%arg16 : memref<!tpu.dma_semaphore, #tpu.memory_space<semaphore_mem>>) src(%arg6 : memref<32x768xf32, #tpu.memory_space<vmem>>) dst(%dma_wait3A_184 : memref<32x768xf32, #tpu.memory_space<hbm>>)
    %dma_wait3A_185 = arith.constant 0 : i32
    %dma_wait3A_186 = tpu.memref_slice %arg4[%add3A_157, %dma_wait3A_185] : memref<8192x768xf32, #tpu.memory_space<hbm>> -> memref<32x768xf32, #tpu.memory_space<hbm>>
    %dma_wait3A_187 = arith.constant 0 : i32
    %dma_wait3A_188 = tpu.memref_slice %arg4[%add3A_157, %dma_wait3A_187] : memref<8192x768xf32, #tpu.memory_space<hbm>> -> memref<32x768xf32, #tpu.memory_space<hbm>>
    tpu.wait_dma2 semaphore(%arg17 : memref<!tpu.dma_semaphore, #tpu.memory_space<semaphore_mem>>) src(%arg7 : memref<32x768xf32, #tpu.memory_space<vmem>>) dst(%dma_wait3A_188 : memref<32x768xf32, #tpu.memory_space<hbm>>)
    %dma_wait3A_189 = arith.constant 0 : i32
    %dma_wait3A_190 = tpu.memref_slice %arg4[%add3A_168, %dma_wait3A_189] : memref<8192x768xf32, #tpu.memory_space<hbm>> -> memref<32x768xf32, #tpu.memory_space<hbm>>
    %dma_wait3A_191 = arith.constant 0 : i32
    %dma_wait3A_192 = tpu.memref_slice %arg4[%add3A_168, %dma_wait3A_191] : memref<8192x768xf32, #tpu.memory_space<hbm>> -> memref<32x768xf32, #tpu.memory_space<hbm>>
    tpu.wait_dma2 semaphore(%arg18 : memref<!tpu.dma_semaphore, #tpu.memory_space<semaphore_mem>>) src(%arg8 : memref<32x768xf32, #tpu.memory_space<vmem>>) dst(%dma_wait3A_192 : memref<32x768xf32, #tpu.memory_space<hbm>>)
    return
  }
}

</mosaic_0001>

<sc_bundles>
// kernel: _gather_rows.3.cloned.1.call-start
scs
__scs_entry_jumppad:
0x0: {  	(pc) =	sbr.rel $0x88, $3  }
0x1: {  	(tag) =	ssettag $0x0;
	lr =	simm.s32 $0x1  }
0x2: {  	[smem:$0x3F9F] =	sst lr;
	_ =	strace $0xD0000000  }
0x3: {  	_ = 	snop  }
0x4: {  	_ = 	snop  }
0x5: {  	_ = 	snop  }
0x6: {  	_ = 	snop  }
0x7: {  	_ = 	snop  }
__scs_overlays_trampoline_lowered:
0x8: {  	[smem:$0x3FAE] =	sst s0  }
0x9: {  	[smem:$0x3FAF] =	sst s1  }
0xa: {  	[smem:$0x3FB0] =	sst s2  }
0xb: {  	[smem:$0x3FB1] =	sst s3  }
0xc: {  	[smem:$0x3FB2] =	sst s4  }
0xd: {  	[smem:$0x3FB3] =	sst s5  }
0xe: {  	[smem:$0x3FB4] =	sst s6  }
0xf: {  	[smem:$0x3FB5] =	sst s7  }
0x10: {  	[smem:$0x3FB6] =	sst s8  }
0x11: {  	[smem:$0x3FB7] =	sst s9;
	s0 =	simm.s32 @!p0 $0x0  }
0x12: {  	s1 =	sld [smem:$0x3F9D];
	s0 =	simm.s32 @p0 $0x1  }
0x13: {  	[smem:$0x3FB8] =	sst s0;
	s0 =	simm.s32 @!p1 $0x0  }
0x14: {  	s2 =	sld [smem:$0x3F9C];
	s0 =	simm.s32 @p1 $0x1  }
0x15: {  	[smem:$0x3FB9] =	sst s0;
	s0 =	simm.s32 @!p2 $0x0  }
0x16: {  	s3 =	sld [smem:$0x3FDB];
	s0 =	simm.s32 @p2 $0x1  }
0x17: {  	s4 =	simm.s32 $0x1BF5;
	[smem:$0x3FBB] =	sst s0  }
0x18: {  	s0 =	sld [smem:$0x3F9E];
	_ =	swait.ge [sflag:s4], $0x0  }
0x19: {  	s7 =	sld [smem:$0x3F9F]  }
0x1a: {  	s8 =	sadd.s32 $0xFFFFE003, lr  }
0x1b: {  	s9 =	sadd.s32 $0xFFFFFEF7, lr;
	s5 =	simm.s32 $0xFFFFFFFF;
	p2 =	slt.u32 s8, $0xFFFFF086  }
0x1c: {  	p1 =	slt.u32 s9, $0xF7A;
	s5 =	simm.s32 @!p2 $0x0  }
0x1d: {  	s5 =	simm.s32 @p1 $0x1;
	p0 =	seq.s32 s7, s2  }
0x1e: {  	s7 =	smul.u32 @!p0 $0xF7A, s2;
	p2 =	seq.s32 @!p0 s5, $0x0  }
0x1f: {  	s9 =	smul.u32 $0xF7A, s1;
	s8 =	simm.s32 @!p0 $0x1BF5;
	p2 =	por !p2, p0  }
0x20: {  	[sflag:s8] =	ssyncset.s32 @!p0 $0xFFFFF086;
	s6 =	sadd.s32 @!p0 s3, s7;
	s7 =	simm.s32 @!p0 $0x108  }
0x21: {  	s3 =	sadd.s32 s3, s9;
	s6 =	sadd.s32 @!p0 $0x88, s6;
	s7 =	simm.s32 @p2 $0x1082  }
0x22: {  	[simem:s7], [sflag:s8] =	dma.local @!p0 [hbm:s6], $0xF7A  }
0x23: {  	s9 =	sor.u32 $0xD0000000, s2;
	s6 =	simm.s32 $0x108;
	_ =	swait.ge @!p0 [sflag:s8], $0x0  }
0x24: {  	s3 =	sadd.s32 $0x88, s3;
	s6 =	simm.s32 @!p1 $0x1082;
	[sflag:s4] =	ssyncset.s32 $0xFFFFF086  }
0x25: {  	[simem:s6], [sflag:s4] =	dma.local [hbm:s3], $0xF7A  }
0x26: {  	[smem:$0x3F9F] =	sst s1;
	(tag) =	ssettag s2;
	_ =	strace s9  }
0x27: {  	s1 =	sld [smem:$0x3FAF]  }
0x28: {  	s2 =	sld [smem:$0x3FB0]  }
0x29: {  	s4 =	sld [smem:$0x3FB2]  }
0x2a: {  	p0 =	seq.s32 s5, $0x0;
	s5 =	sld [smem:$0x3FB3]  }
0x2b: {  	s6 =	sld [smem:$0x3FB4]  }
0x2c: {  	s7 =	sld [smem:$0x3FB5]  }
0x2d: {  	s3 =	simm.s32 $0x108;
	s8 =	sld [smem:$0x3FB6]  }
0x2e: {  	s3 =	simm.s32 @!p0 $0x1082;
	s9 =	sld [smem:$0x3FB7]  }
0x2f: {  	lr =	sadd.s32 s0, s3;
	s0 =	sld [smem:$0x3FAE]  }
0x30: {  	s3 =	sld [smem:$0x3FB1]  }
0x31: {  	[smem:$0x3FBA] =	sst s10  }
0x32: {  	s10 =	sld [smem:$0x3FB8];
	_ =	sdelay $0x3  }
0x33: {  	p0 =	seq.s32 s10, $0x1;
	s10 =	sld [smem:$0x3FBA];
	_ =	sdelay $0x3  }
0x34: {  	[smem:$0x3FBA] =	sst s10  }
0x35: {  	s10 =	sld [smem:$0x3FB9];
	_ =	sdelay $0x3  }
0x36: {  	p1 =	seq.s32 s10, $0x1;
	s10 =	sld [smem:$0x3FBA];
	_ =	sdelay $0x3  }
0x37: {  	[smem:$0x3FBA] =	sst s10  }
0x38: {  	s10 =	sld [smem:$0x3FBB]  }
0x39: {  	_ = 	snop;
	(pc) =	sbr.ind lr, $3  }
0x3a: {  	_ = 	snop  }
0x3b: {  	_ = 	snop  }
0x3c: {  	p2 =	seq.s32 s10, $0x1;
	s10 =	sld [smem:$0x3FBA]  }
0x3d: {  	_ =	shalt  }
0x3e: {  	_ =	shalt  }
0x3f: {  	_ =	shalt  }
0x40: {  	_ =	shalt  }
0x41: {  	_ =	shalt  }
0x42: {  	_ =	shalt  }
0x43: {  	_ =	shalt  }
0x44: {  	_ =	shalt  }
0x45: {  	_ =	shalt  }
0x46: {  	_ =	shalt  }
0x47: {  	_ =	shalt  }
0x48: {  	_ =	shalt  }
0x49: {  	_ =	shalt  }
0x4a: {  	_ =	shalt  }
0x4b: {  	_ =	shalt  }
0x4c: {  	_ =	shalt  }
0x4d: {  	_ =	shalt  }
0x4e: {  	_ =	shalt  }
0x4f: {  	_ =	shalt  }
0x50: {  	_ =	shalt  }
0x51: {  	_ =	shalt  }
0x52: {  	_ =	shalt  }
0x53: {  	_ =	shalt  }
0x54: {  	_ =	shalt  }
0x55: {  	_ =	shalt  }
0x56: {  	_ =	shalt  }
0x57: {  	_ =	shalt  }
0x58: {  	_ =	shalt  }
0x59: {  	_ =	shalt  }
0x5a: {  	_ =	shalt  }
0x5b: {  	_ =	shalt  }
0x5c: {  	_ =	shalt  }
0x5d: {  	_ =	shalt  }
0x5e: {  	_ =	shalt  }
0x5f: {  	_ =	shalt  }
0x60: {  	_ =	shalt  }
0x61: {  	_ =	shalt  }
0x62: {  	_ =	shalt  }
0x63: {  	_ =	shalt  }
0x64: {  	_ =	shalt  }
0x65: {  	_ =	shalt  }
0x66: {  	_ =	shalt  }
0x67: {  	_ =	shalt  }
0x68: {  	_ =	shalt  }
0x69: {  	_ =	shalt  }
0x6a: {  	_ =	shalt  }
0x6b: {  	_ =	shalt  }
0x6c: {  	_ =	shalt  }
0x6d: {  	_ =	shalt  }
0x6e: {  	_ =	shalt  }
0x6f: {  	_ =	shalt  }
0x70: {  	_ =	shalt  }
0x71: {  	_ =	shalt  }
0x72: {  	_ =	shalt  }
0x73: {  	_ =	shalt  }
0x74: {  	_ =	shalt  }
0x75: {  	_ =	shalt  }
0x76: {  	_ =	shalt  }
0x77: {  	_ =	shalt  }
0x78: {  	_ =	shalt  }
0x79: {  	_ =	shalt  }
0x7a: {  	_ =	shalt  }
0x7b: {  	_ =	shalt  }
0x7c: {  	_ =	shalt  }
0x7d: {  	_ =	shalt  }
0x7e: {  	_ =	shalt  }
0x7f: {  	_ =	shalt  }
0x80: {  	_ =	shalt  }
0x81: {  	_ =	shalt  }
0x82: {  	_ =	shalt  }
0x83: {  	_ =	shalt  }
0x84: {  	_ =	shalt  }
0x85: {  	_ =	shalt  }
0x86: {  	_ =	shalt  }
0x87: {  	_ =	shalt  }
.Lfunc_end0:
.L_simem_size_0:
called_computation_lowered:
.L_overlay_start_0:
0x88: {  	s2 =	sld [smem:$0x3FD9]  }
0x89: {  	s3 =	sld [smem:$0x3FFE];
	_ =	sdelay $0x1  }
0x8a: {  	s1 =	srdreg.scid  }
0x8b: {  	s0 =	sand.u32 $0x1, s1  }
0x8c: {  	s18 =	sshll.u32 s0, $0xA;
	s2 =	sadd.s32 s3, s2  }
0x8d: {  	s2 =	sadd.s32 s2, s18  }
0x8e: {  	[smem:$0x3FC6] =	sst s2  }
0x8f: {  	_ = 	snop  }
0x90: {  	s2 =	sld [smem:$0x3FC9]  }
0x91: {  	s19 =	sld [smem:$0x3FC8]  }
0x92: {  	s4 =	sld [smem:$0x3FD0];
	(tm) =	ssettm $0x1  }
0x93: {  	s5 =	sld [smem:$0x3FFB];
	_ =	sdelay $0x3  }
0x94: {  	_ =	strace s5  }
0x95: {  	s5 =	sld [smem:$0x3FFC];
	_ =	sdelay $0x3  }
0x96: {  	_ =	strace s5  }
0x97: {  	s5 =	sld [smem:$0x3FFD];
	_ =	sdelay $0x3  }
0x98: {  	_ =	strace s5  }
0x99: {  	_ =	strace $0x8FFFFFFF  }
0x9a: {  	s20 =	sld [smem:$0x3FDB];
	_ =	sdelay $0x1  }
0x9b: {  	s6 =	simm.s32 $_scs_section_size  }
0x9c: {  	s7 =	simm.s32 $_size__tile_overlayer_lowered;
	s8 =	simm.s32 $_tile_overlayer_lowered  }
0x9d: {  	s23 =	simm.s32 $0x1BFF;
	s22 =	sshll.u32 s8, $0x1;
	s5 =	sadd.s32 s6, s20  }
0x9e: {  	s9 =	simm.s32 $0x0;
	s21 =	sshll.u32 s7, $0x1;
	s7 =	sadd.s32 s22, s5  }
0x9f: {  	[timem:s9], [sflag:s23] =	dma.local [hbm:s7], s21  }
0xa0: {  	_ =	swait.ge [sflag:s23], s21  }
0xa1: {  	s6 =	ssub.s32 $0x0, s21;
	[sflag:s23] =	ssyncset.done $0x0  }
0xa2: {  	[sflag:s23] =	ssyncadd.s32 s6;
	_ =	sdelay $0x1  }
0xa3: {  	s24 =	simm.s32 $0x1B8B  }
0xa4: {  	_ =	swait.ge [sflag:s24], $0x1  }
0xa5: {  	[sflag:s24] =	ssyncset.done $0x0  }
0xa6: {  	s25 =	simm.s32 $0x1B8E;
	[sflag:s24] =	ssyncadd.s32 $0xFFFFFFFF  }
0xa7: {  	s26 =	simm.s32 $execute0_lowered;
	[smem:$0x3FD2] =	sst s25  }
0xa8: {  	s6 =	sshll.u32 s26, $0x1;
	_ =	strace $0x80000046;
	[dreg:$0x1] =	wrdreg $0xFFFFFFFF  }
0xa9: {  	s28 =	simm.s32 $_size_execute0_lowered;
	s5 =	sadd.s32 s5, s6;
	[dreg:$0x0] =	wrdreg $0x0  }
0xaa: {  	s6 =	sshll.u32 s28, $0x1;
	[dreg:$0x2] =	wrdreg s5  }
0xab: {  	[dreg:$0x3] =	wrdreg s6  }
0xac: {  	[dreg:$0x4] =	wrdreg $0xC0  }
0xad: {  	_ =	task [dreg:s9], $0x5FFFF  }
0xae: {  	[dreg:$0x1] =	wrdreg $0xFFFFFFFF  }
0xaf: {  	[dreg:$0x0] =	wrdreg $0x60  }
0xb0: {  	[dreg:$0x2] =	wrdreg s2  }
0xb1: {  	[dreg:$0x3] =	wrdreg s19  }
0xb2: {  	[dreg:$0x4] =	wrdreg s4  }
0xb3: {  	[dreg:$0x5] =	wrdreg $0x9  }
0xb4: {  	_ =	task.clear_ibuf [dreg:s9], $0x6FFFF;
	_ =	strace $0x90000046  }
0xb5: {  	s29 =	simm.s32 $0x9;
	_ =	strace $0x80000048  }
0xb6: {  	_ =	swait.ge [sflag:s29], $0x1  }
0xb7: {  	[sflag:s29] =	ssyncadd.s32 $0xFFFFFFFF  }
0xb8: {  	_ =	strace $0x90000048  }
0xb9: {  	_ =	sfence  }
0xba: {  	s30 =	sld [smem:$0x0];
	_ =	sdelay $0x2  }
0xbb: {  	s31 =	sshll.u32 s1, $0xD;
	s1 =	sshrl.u32 s1, $0x2  }
0xbc: {  	s3 =	sand.u32 $0x4000, s31;
	s1 =	sadd.s32 s1, s30  }
0xbd: {  	s0 =	sor.u32 s3, s0;
	s1 =	sshll.u32 s1, $0x11  }
0xbe: {  	s0 =	sor.u32 s1, s0  }
0xbf: {  	s0 =	sadd.s32 $0x8F2B, s0  }
0xc0: {  	[sflag:s0] =	ssyncadd.remote.s32 $0x1  }
0xc1: {  	_ =	sfence.sel $0xFFFF  }
0xc2: {  	[dreg:$0x0] =	wrdreg $0xFFFFFFFF;
	(pc) =	sbr.abs _section_cstart, $3  }
0xc3: {  	[dreg:$0x1] =	wrdreg $0xFFFFFFFF  }
0xc4: {  	_ =	task.clear_ibuf [dreg:s9], $0x2FFFF;
	_ =	strace $0x9FFFFFFF  }
0xc5: {  	(tm) =	ssettm $0x7FFFFFFF  }
tec
execute0_lowered:
.L_overlay_start_1:
0x0: {  	(tag) =	ssettag $0x1  }
0x1: {  	s1 =	rddreg [dreg:$0x0]  }
0x2: {  	s0 =	rddreg [dreg:$0x1]  }
0x3: {  	s2 =	rddreg [dreg:$0x2];
	s3 =	simm.s32 $0x0  }
0x4: {  	s4 =	srdreg.scid;
	s24 =	simm.s32 $0x80;
	[smem:$0x7FF] =	sst s3  }
0x5: {  	s26 =	simm.s32 $0x200;
	_ =	strace $0x80000047;
	[dreg:$0xc] =	wrdreg s24  }
0x6: {  	s6 =	stileid.u32;
	s9 =	simm.s32 $0x14900;
	[dreg:$0xd] =	wrdreg s26  }
0x7: {  	s10 =	simm.s32 $0x15100;
	s11 =	simm.s32 $0x15900;
	[dreg:$0x12] =	wrdreg s9  }
0x8: {  	s12 =	simm.s32 $0x16100;
	s13 =	simm.s32 $0x16900;
	[dreg:$0x13] =	wrdreg s10  }
0x9: {  	s14 =	simm.s32 $0x17100;
	s15 =	simm.s32 $0x17900;
	[dreg:$0x14] =	wrdreg s11  }
0xa: {  	s28 =	simm.s32 $0x3;
	s29 =	simm.s32 $0x7;
	[dreg:$0x15] =	wrdreg s12  }
0xb: {  	s31 =	simm.s32 $0x8;
	s4 =	sand.u32 $0x1, s4;
	[dreg:$0x16] =	wrdreg s13  }
0xc: {  	s5 =	sshll.u32 s6, $0x1;
	s6 =	sshll.u32 s6, $0x2;
	[dreg:$0x17] =	wrdreg s14  }
0xd: {  	s5 =	sor.u32 s4, s5;
	s6 =	sand.u32 $0x30, s6;
	[dreg:$0x18] =	wrdreg s15  }
0xe: {  	s24 =	simm.s32 $0x1C900;
	s26 =	simm.s32 $0x1D900;
	s7 =	sshll.u32 s5, $0x7  }
0xf: {  	s8 =	smul.u32 $0x6000, s5;
	s0 =	sadd.s32 s0, s6;
	[smem:$0x7FB] =	sst s24  }
0x10: {  	s6 =	simm.s32 $0x13100;
	[smem:$0x7FD] =	sst s26;
	s7 =	sand.u32 $0x380, s7  }
0x11: {  	s30 =	simm.s32 $0x6900;
	[dreg:$0xf] =	wrdreg s6;
	s0 =	sadd.s32 s7, s0  }
0x12: {  	s25 =	ssub.s32 $0x2, s4;
	s16 =	sadd.s32 s2, s8;
	[dreg:$0x4] =	wrdreg s0  }
0x13: {  	s9 =	simm.s32 $0x1;
	s7 =	simm.s32 $0x13900;
	[smem:$0x7F9] =	sst s16  }
0x14: {  	s5 =	smul.u32 $0x30000, s5;
	s8 =	simm.s32 $0x14100;
	[dreg:$0x10] =	wrdreg s7  }
0x15: {  	s14 =	simm.s32 $0x1100;
	s17 =	sadd.s32 $0xC00, s16;
	[dreg:$0x11] =	wrdreg s8  }
0x16: {  	s5 =	sshrl.u32 s5, $0x3;
	s18 =	sadd.s32 $0x1800, s16;
	[dreg:$0x5] =	wrdreg s17  }
0x17: {  	s2 =	sadd.s32 s2, s5;
	s5 =	simm.s32 $0x12900;
	[dreg:$0x6] =	wrdreg s18  }
0x18: {  	s15 =	simm.s32 $0x1900;
	s16 =	simm.s32 $0x18900;
	[dreg:$0xe] =	wrdreg s5  }
0x19: {  	s10 =	simm.s32 $0x8100;
	s19 =	sadd.s32 $0x2400, s2;
	[dreg:$0x19] =	wrdreg s16  }
0x1a: {  	s4 =	sshrl.u32 s25, $0x1;
	s20 =	sadd.s32 $0x3000, s2;
	[dreg:$0x7] =	wrdreg s19  }
0x1b: {  	s26 =	simm.s32 $0x6;
	s21 =	sadd.s32 $0x3C00, s2;
	[dreg:$0x8] =	wrdreg s20  }
0x1c: {  	s24 =	simm.s32 $0x5100;
	s22 =	sadd.s32 $0x4800, s2;
	[dreg:$0x9] =	wrdreg s21  }
0x1d: {  	s6 =	sadd.s32 $0x200, s1;
	s23 =	sadd.s32 $0x5400, s2;
	[dreg:$0xa] =	wrdreg s22  }
0x1e: {  	s2 =	ssub.s32 s25, s4;
	s17 =	simm.s32 $0x19100;
	[dreg:$0xb] =	wrdreg s23  }
0x1f: {  	s5 =	sadd.s32 $0x100, s1;
	s18 =	simm.s32 $0x19900;
	[dreg:$0x1a] =	wrdreg s17  }
0x20: {  	s25 =	simm.s32 $0x1D100;
	s16 =	simm.s32 $0x2100;
	[dreg:$0x1b] =	wrdreg s18  }
0x21: {  	s4 =	simm.s32 $0x6100;
	s19 =	simm.s32 $0x1A100;
	[smem:$0x7FC] =	sst s25  }
0x22: {  	s7 =	smax.u32 s2, $0x1;
	s20 =	simm.s32 $0x1A900;
	[dreg:$0x1c] =	wrdreg s19  }
0x23: {  	s21 =	simm.s32 $0x1B100;
	s22 =	simm.s32 $0x1B900;
	[dreg:$0x1d] =	wrdreg s20  }
0x24: {  	s23 =	simm.s32 $0x1C100;
	s25 =	simm.s32 $0x2;
	[dreg:$0x1e] =	wrdreg s21  }
0x25: {  	v2 =	vlaneseq.u32;
	s17 =	simm.s32 $0x2900;
	s18 =	simm.s32 $0x3100;
	[dreg:$0x1f] =	wrdreg s22  }
0x26: {  	vm0 =	vmmov $0xffff;
	v1 =	vshrl.u32 v2, $0x3;
	[smem:$0x7FA] =	sst s23;
	s21 =	simm.s32 $0x100;
	s19 =	simm.s32 $0x3900  }
0x27: {  	v0 =	vand.u32 $0x7, v2;
	v2 =	vor.u32 $0x8, v2;
	v1 =	vmul.u32 $0x8, v1;
	s20 =	simm.s32 $0x4100;
	s22 =	simm.s32 $0x4900;
	s23 =	simm.s32 $0x18100  }
.LBB2_1:
0x28: {  	s11 =	rddreg [dreg:$0x4]  }
0x29: {  	s12 =	rddreg [dreg:$0xc]  }
0x2a: {  	s13 =	rddreg [dreg:$0xd];
	s8 =	simm.s32 $0xB  }
0x2b: {  	[tilespmem:s3], [sflag:$0xB] =	stream.strided.gather [hbm4b:s11+s12], $0x100, s13, s12, $0x38;
	[tilespmem:$0x1E100] =	vst v63  }
0x2c: {  	_ =	swait.ge [sflag:s8], $0x100  }
0x2d: {  	[sflag:s8] =	ssyncset.done $0x0  }
0x2e: {  	[sflag:s8] =	ssyncadd.s32 $0xFFFFFF00  }
0x2f: {  	v3 =	vld [tilespmem:$0x0];
	_ =	sdelay $0x4  }
0x30: {  	v4 =	vshrl.u32 v3, $0x3  }
0x31: {  	v4 =	vmul.u32 $0x30, v4  }
0x32: {  	v3 =	vand.u32 $0x7, v3  }
0x33: {  	v3 =	vor.u32 v3, v4  }
0x34: {  	v4 =	vperm.xlane v3, v0;
	_ =	sdelay $0x1  }
0x35: {  	v4 =	vadd.s32 v1, v4;
	_ =	sdelay $0x3  }
0x36: {  	v3 =	vperm.xlane v3, v2  }
0x37: {  	[tilespmem:s21], [sflag:$0x1] =	stream.indirect_vreg.gather [hbm4b:s1+s3], $0x80, v4, vm0, $0xb8;
	[tilespmem:$0x1E100] =	vst v63  }
0x38: {  	s13 =	simm.s32 $0x900;
	v3 =	vadd.s32 v1, v3  }
0x39: {  	[tilespmem:s13], [sflag:$0x1] =	stream.indirect_vreg.gather [hbm4b:s5+s3], $0x80, v4, vm0, $0xb8;
	[tilespmem:$0x1E100] =	vst v63  }
0x3a: {  	_ = 	snop  }
0x3b: {  	[tilespmem:s14], [sflag:$0x1] =	stream.indirect_vreg.gather [hbm4b:s6+s3], $0x80, v4, vm0, $0xb8;
	[tilespmem:$0x1E100] =	vst v63  }
0x3c: {  	_ = 	snop  }
0x3d: {  	[tilespmem:s15], [sflag:$0x1] =	stream.indirect_vreg.gather [hbm4b:s1+s3], $0x80, v3, vm0, $0xb8;
	[tilespmem:$0x1E100] =	vst v63  }
0x3e: {  	_ = 	snop  }
0x3f: {  	[tilespmem:s16], [sflag:$0x1] =	stream.indirect_vreg.gather [hbm4b:s5+s3], $0x80, v3, vm0, $0xb8;
	[tilespmem:$0x1E100] =	vst v63  }
0x40: {  	_ = 	snop  }
0x41: {  	[tilespmem:s17], [sflag:$0x1] =	stream.indirect_vreg.gather [hbm4b:s6+s3], $0x80, v3, vm0, $0xb8;
	[tilespmem:$0x1E100] =	vst v63  }
0x42: {  	v3 =	vld [tilespmem:$0x10];
	_ =	sdelay $0x4  }
0x43: {  	v49 =	vshrl.u32 v3, $0x3  }
0x44: {  	v4 =	vmul.u32 $0x30, v49  }
0x45: {  	v3 =	vand.u32 $0x7, v3  }
0x46: {  	v3 =	vor.u32 v3, v4  }
0x47: {  	v4 =	vperm.xlane v3, v0;
	_ =	sdelay $0x1  }
0x48: {  	v4 =	vadd.s32 v1, v4;
	_ =	sdelay $0x3  }
0x49: {  	v3 =	vperm.xlane v3, v2  }
0x4a: {  	[tilespmem:s18], [sflag:$0x1] =	stream.indirect_vreg.gather [hbm4b:s1+s3], $0x80, v4, vm0, $0xb8;
	[tilespmem:$0x1E100] =	vst v63  }
0x4b: {  	v3 =	vadd.s32 v1, v3  }
0x4c: {  	[tilespmem:s19], [sflag:$0x1] =	stream.indirect_vreg.gather [hbm4b:s5+s3], $0x80, v4, vm0, $0xb8;
	[tilespmem:$0x1E100] =	vst v63  }
0x4d: {  	_ = 	snop  }
0x4e: {  	[tilespmem:s20], [sflag:$0x1] =	stream.indirect_vreg.gather [hbm4b:s6+s3], $0x80, v4, vm0, $0xb8;
	[tilespmem:$0x1E100] =	vst v63  }
0x4f: {  	_ = 	snop  }
0x50: {  	[tilespmem:s22], [sflag:$0x1] =	stream.indirect_vreg.gather [hbm4b:s1+s3], $0x80, v3, vm0, $0xb8;
	[tilespmem:$0x1E100] =	vst v63  }
0x51: {  	_ = 	snop  }
0x52: {  	[tilespmem:s24], [sflag:$0x1] =	stream.indirect_vreg.gather [hbm4b:s5+s3], $0x80, v3, vm0, $0xb8;
	[tilespmem:$0x1E100] =	vst v63  }
0x53: {  	s8 =	simm.s32 $0x5900  }
0x54: {  	[tilespmem:s8], [sflag:$0x1] =	stream.indirect_vreg.gather [hbm4b:s6+s3], $0x80, v3, vm0, $0xb8;
	[tilespmem:$0x1E100] =	vst v63  }
0x55: {  	v3 =	vld [tilespmem:$0x20];
	_ =	sdelay $0x4  }
0x56: {  	v50 =	vshrl.u32 v3, $0x3  }
0x57: {  	v4 =	vmul.u32 $0x30, v50  }
0x58: {  	v3 =	vand.u32 $0x7, v3  }
0x59: {  	v3 =	vor.u32 v3, v4  }
0x5a: {  	v4 =	vperm.xlane v3, v0;
	_ =	sdelay $0x1  }
0x5b: {  	v4 =	vadd.s32 v1, v4;
	_ =	sdelay $0x3  }
0x5c: {  	v3 =	vperm.xlane v3, v2  }
0x5d: {  	[tilespmem:s4], [sflag:$0x2] =	stream.indirect_vreg.gather [hbm4b:s1+s3], $0x80, v4, vm0, $0xb8;
	[tilespmem:$0x1E100] =	vst v63  }
0x5e: {  	v3 =	vadd.s32 v1, v3  }
0x5f: {  	[tilespmem:s30], [sflag:$0x2] =	stream.indirect_vreg.gather [hbm4b:s5+s3], $0x80, v4, vm0, $0xb8;
	[tilespmem:$0x1E100] =	vst v63  }
0x60: {  	s0 =	simm.s32 $0x7100  }
0x61: {  	[tilespmem:s0], [sflag:$0x2] =	stream.indirect_vreg.gather [hbm4b:s6+s3], $0x80, v4, vm0, $0xb8;
	[tilespmem:$0x1E100] =	vst v63  }
0x62: {  	s2 =	simm.s32 $0x7900  }
0x63: {  	[tilespmem:s2], [sflag:$0x2] =	stream.indirect_vreg.gather [hbm4b:s1+s3], $0x80, v3, vm0, $0xb8;
	[tilespmem:$0x1E100] =	vst v63  }
0x64: {  	_ = 	snop  }
0x65: {  	[tilespmem:s10], [sflag:$0x2] =	stream.indirect_vreg.gather [hbm4b:s5+s3], $0x80, v3, vm0, $0xb8;
	[tilespmem:$0x1E100] =	vst v63  }
0x66: {  	s11 =	simm.s32 $0x8900  }
0x67: {  	[tilespmem:s11], [sflag:$0x2] =	stream.indirect_vreg.gather [hbm4b:s6+s3], $0x80, v3, vm0, $0xb8;
	[tilespmem:$0x1E100] =	vst v63  }
0x68: {  	v3 =	vld [tilespmem:$0x30];
	_ =	sdelay $0x4  }
0x69: {  	v51 =	vshrl.u32 v3, $0x3  }
0x6a: {  	v4 =	vmul.u32 $0x30, v51  }
0x6b: {  	v3 =	vand.u32 $0x7, v3  }
0x6c: {  	v3 =	vor.u32 v3, v4  }
0x6d: {  	v4 =	vperm.xlane v3, v0;
	_ =	sdelay $0x1  }
0x6e: {  	v4 =	vadd.s32 v1, v4;
	_ =	sdelay $0x3  }
0x6f: {  	s12 =	simm.s32 $0x9100;
	v3 =	vperm.xlane v3, v2  }
0x70: {  	[tilespmem:s12], [sflag:$0x2] =	stream.indirect_vreg.gather [hbm4b:s1+s3], $0x80, v4, vm0, $0xb8;
	[tilespmem:$0x1E100] =	vst v63  }
0x71: {  	s2 =	simm.s32 $0x9900;
	v3 =	vadd.s32 v1, v3  }
0x72: {  	[tilespmem:s2], [sflag:$0x2] =	stream.indirect_vreg.gather [hbm4b:s5+s3], $0x80, v4, vm0, $0xb8;
	[tilespmem:$0x1E100] =	vst v63  }
0x73: {  	s11 =	simm.s32 $0xA100  }
0x74: {  	[tilespmem:s11], [sflag:$0x2] =	stream.indirect_vreg.gather [hbm4b:s6+s3], $0x80, v4, vm0, $0xb8;
	[tilespmem:$0x1E100] =	vst v63  }
0x75: {  	s12 =	simm.s32 $0xA900  }
0x76: {  	[tilespmem:s12], [sflag:$0x2] =	stream.indirect_vreg.gather [hbm4b:s1+s3], $0x80, v3, vm0, $0xb8;
	[tilespmem:$0x1E100] =	vst v63  }
0x77: {  	s2 =	simm.s32 $0xB100  }
0x78: {  	[tilespmem:s2], [sflag:$0x2] =	stream.indirect_vreg.gather [hbm4b:s5+s3], $0x80, v3, vm0, $0xb8;
	[tilespmem:$0x1E100] =	vst v63  }
0x79: {  	s11 =	simm.s32 $0xB900  }
0x7a: {  	[tilespmem:s11], [sflag:$0x2] =	stream.indirect_vreg.gather [hbm4b:s6+s3], $0x80, v3, vm0, $0xb8;
	[tilespmem:$0x1E100] =	vst v63  }
0x7b: {  	v3 =	vld [tilespmem:$0x40];
	_ =	sdelay $0x4  }
0x7c: {  	v52 =	vshrl.u32 v3, $0x3  }
0x7d: {  	v4 =	vmul.u32 $0x30, v52  }
0x7e: {  	v3 =	vand.u32 $0x7, v3  }
0x7f: {  	v3 =	vor.u32 v3, v4  }
0x80: {  	v4 =	vperm.xlane v3, v0;
	_ =	sdelay $0x1  }
0x81: {  	v4 =	vadd.s32 v1, v4;
	_ =	sdelay $0x3  }
0x82: {  	s0 =	simm.s32 $0xC100;
	v3 =	vperm.xlane v3, v2  }
0x83: {  	[tilespmem:s0], [sflag:$0x3] =	stream.indirect_vreg.gather [hbm4b:s1+s3], $0x80, v4, vm0, $0xb8;
	[tilespmem:$0x1E100] =	vst v63  }
0x84: {  	s2 =	simm.s32 $0xC900;
	v3 =	vadd.s32 v1, v3  }
0x85: {  	[tilespmem:s2], [sflag:$0x3] =	stream.indirect_vreg.gather [hbm4b:s5+s3], $0x80, v4, vm0, $0xb8;
	[tilespmem:$0x1E100] =	vst v63  }
0x86: {  	s12 =	simm.s32 $0xD100  }
0x87: {  	[tilespmem:s12], [sflag:$0x3] =	stream.indirect_vreg.gather [hbm4b:s6+s3], $0x80, v4, vm0, $0xb8;
	[tilespmem:$0x1E100] =	vst v63  }
0x88: {  	s11 =	simm.s32 $0xD900  }
0x89: {  	[tilespmem:s11], [sflag:$0x3] =	stream.indirect_vreg.gather [hbm4b:s1+s3], $0x80, v3, vm0, $0xb8;
	[tilespmem:$0x1E100] =	vst v63  }
0x8a: {  	s12 =	simm.s32 $0xE100  }
0x8b: {  	[tilespmem:s12], [sflag:$0x3] =	stream.indirect_vreg.gather [hbm4b:s5+s3], $0x80, v3, vm0, $0xb8;
	[tilespmem:$0x1E100] =	vst v63  }
0x8c: {  	s11 =	simm.s32 $0xE900  }
0x8d: {  	[tilespmem:s11], [sflag:$0x3] =	stream.indirect_vreg.gather [hbm4b:s6+s3], $0x80, v3, vm0, $0xb8;
	[tilespmem:$0x1E100] =	vst v63  }
0x8e: {  	v3 =	vld [tilespmem:$0x50];
	_ =	sdelay $0x4  }
0x8f: {  	v53 =	vshrl.u32 v3, $0x3  }
0x90: {  	v4 =	vmul.u32 $0x30, v53  }
0x91: {  	v3 =	vand.u32 $0x7, v3  }
0x92: {  	v3 =	vor.u32 v3, v4  }
0x93: {  	v4 =	vperm.xlane v3, v0;
	_ =	sdelay $0x1  }
0x94: {  	v4 =	vadd.s32 v1, v4;
	_ =	sdelay $0x3  }
0x95: {  	s12 =	simm.s32 $0xF100;
	v3 =	vperm.xlane v3, v2  }
0x96: {  	[tilespmem:s12], [sflag:$0x3] =	stream.indirect_vreg.gather [hbm4b:s1+s3], $0x80, v4, vm0, $0xb8;
	[tilespmem:$0x1E100] =	vst v63  }
0x97: {  	s11 =	simm.s32 $0xF900;
	v3 =	vadd.s32 v1, v3  }
0x98: {  	[tilespmem:s11], [sflag:$0x3] =	stream.indirect_vreg.gather [hbm4b:s5+s3], $0x80, v4, vm0, $0xb8;
	[tilespmem:$0x1E100] =	vst v63  }
0x99: {  	s12 =	simm.s32 $0x10100  }
0x9a: {  	[tilespmem:s12], [sflag:$0x3] =	stream.indirect_vreg.gather [hbm4b:s6+s3], $0x80, v4, vm0, $0xb8;
	[tilespmem:$0x1E100] =	vst v63  }
0x9b: {  	s11 =	simm.s32 $0x10900  }
0x9c: {  	[tilespmem:s11], [sflag:$0x3] =	stream.indirect_vreg.gather [hbm4b:s1+s3], $0x80, v3, vm0, $0xb8;
	[tilespmem:$0x1E100] =	vst v63  }
0x9d: {  	s12 =	simm.s32 $0x11100  }
0x9e: {  	[tilespmem:s12], [sflag:$0x3] =	stream.indirect_vreg.gather [hbm4b:s5+s3], $0x80, v3, vm0, $0xb8;
	[tilespmem:$0x1E100] =	vst v63  }
0x9f: {  	s11 =	simm.s32 $0x11900  }
0xa0: {  	[tilespmem:s11], [sflag:$0x3] =	stream.indirect_vreg.gather [hbm4b:s6+s3], $0x80, v3, vm0, $0xb8;
	[tilespmem:$0x1E100] =	vst v63  }
0xa1: {  	v3 =	vld [tilespmem:$0x60];
	_ =	sdelay $0x4  }
0xa2: {  	v54 =	vshrl.u32 v3, $0x3  }
0xa3: {  	v4 =	vmul.u32 $0x30, v54  }
0xa4: {  	v3 =	vand.u32 $0x7, v3  }
0xa5: {  	v3 =	vor.u32 v3, v4  }
0xa6: {  	v4 =	vperm.xlane v3, v0;
	_ =	sdelay $0x1  }
0xa7: {  	v4 =	vadd.s32 v1, v4;
	_ =	sdelay $0x3  }
0xa8: {  	s2 =	simm.s32 $0x12100;
	v3 =	vperm.xlane v3, v2  }
0xa9: {  	[tilespmem:s2], [sflag:$0x4] =	stream.indirect_vreg.gather [hbm4b:s1+s3], $0x80, v4, vm0, $0xb8;
	[tilespmem:$0x1E100] =	vst v63  }
0xaa: {  	s11 =	rddreg [dreg:$0xe];
	v3 =	vadd.s32 v1, v3  }
0xab: {  	[tilespmem:s11], [sflag:$0x4] =	stream.indirect_vreg.gather [hbm4b:s5+s3], $0x80, v4, vm0, $0xb8;
	[tilespmem:$0x1E100] =	vst v63  }
0xac: {  	s12 =	rddreg [dreg:$0xf]  }
0xad: {  	[tilespmem:s12], [sflag:$0x4] =	stream.indirect_vreg.gather [hbm4b:s6+s3], $0x80, v4, vm0, $0xb8;
	[tilespmem:$0x1E100] =	vst v63  }
0xae: {  	s11 =	rddreg [dreg:$0x10]  }
0xaf: {  	[tilespmem:s11], [sflag:$0x4] =	stream.indirect_vreg.gather [hbm4b:s1+s3], $0x80, v3, vm0, $0xb8;
	[tilespmem:$0x1E100] =	vst v63  }
0xb0: {  	s12 =	rddreg [dreg:$0x11]  }
0xb1: {  	[tilespmem:s12], [sflag:$0x4] =	stream.indirect_vreg.gather [hbm4b:s5+s3], $0x80, v3, vm0, $0xb8;
	[tilespmem:$0x1E100] =	vst v63  }
0xb2: {  	s11 =	rddreg [dreg:$0x12]  }
0xb3: {  	[tilespmem:s11], [sflag:$0x4] =	stream.indirect_vreg.gather [hbm4b:s6+s3], $0x80, v3, vm0, $0xb8;
	[tilespmem:$0x1E100] =	vst v63  }
0xb4: {  	v3 =	vld [tilespmem:$0x70];
	_ =	sdelay $0x4  }
0xb5: {  	v55 =	vshrl.u32 v3, $0x3  }
0xb6: {  	v4 =	vmul.u32 $0x30, v55  }
0xb7: {  	v3 =	vand.u32 $0x7, v3  }
0xb8: {  	v3 =	vor.u32 v3, v4  }
0xb9: {  	v4 =	vperm.xlane v3, v0;
	_ =	sdelay $0x1  }
0xba: {  	v4 =	vadd.s32 v1, v4;
	_ =	sdelay $0x3  }
0xbb: {  	s11 =	rddreg [dreg:$0x13];
	v3 =	vperm.xlane v3, v2  }
0xbc: {  	[tilespmem:s11], [sflag:$0x4] =	stream.indirect_vreg.gather [hbm4b:s1+s3], $0x80, v4, vm0, $0xb8;
	[tilespmem:$0x1E100] =	vst v63  }
0xbd: {  	s12 =	rddreg [dreg:$0x14];
	v3 =	vadd.s32 v1, v3  }
0xbe: {  	[tilespmem:s12], [sflag:$0x4] =	stream.indirect_vreg.gather [hbm4b:s5+s3], $0x80, v4, vm0, $0xb8;
	[tilespmem:$0x1E100] =	vst v63  }
0xbf: {  	s11 =	rddreg [dreg:$0x15]  }
0xc0: {  	[tilespmem:s11], [sflag:$0x4] =	stream.indirect_vreg.gather [hbm4b:s6+s3], $0x80, v4, vm0, $0xb8;
	[tilespmem:$0x1E100] =	vst v63  }
0xc1: {  	s12 =	rddreg [dreg:$0x16]  }
0xc2: {  	[tilespmem:s12], [sflag:$0x4] =	stream.indirect_vreg.gather [hbm4b:s1+s3], $0x80, v3, vm0, $0xb8;
	[tilespmem:$0x1E100] =	vst v63  }
0xc3: {  	s11 =	rddreg [dreg:$0x17]  }
0xc4: {  	[tilespmem:s11], [sflag:$0x4] =	stream.indirect_vreg.gather [hbm4b:s5+s3], $0x80, v3, vm0, $0xb8;
	[tilespmem:$0x1E100] =	vst v63  }
0xc5: {  	s12 =	rddreg [dreg:$0x18]  }
0xc6: {  	[tilespmem:s12], [sflag:$0x4] =	stream.indirect_vreg.gather [hbm4b:s6+s3], $0x80, v3, vm0, $0xb8;
	[tilespmem:$0x1E100] =	vst v63  }
0xc7: {  	_ =	swait.ge [sflag:s9], $0x6000  }
0xc8: {  	s12 =	sld [smem:$0x7F9]  }
0xc9: {  	[sflag:s9] =	ssyncset.done $0x0  }
0xca: {  	[sflag:s9] =	ssyncadd.s32 $0xFFFFA000  }
0xcb: {  	[hbm4b:s12+s3] =	stream.linear.scatter [tilespmem:s21], [sflag:$0x6], $0x6000, $0x38;
	[tilespmem:$0x1E100] =	vst v63  }
0xcc: {  	v3 =	vld [tilespmem:$0x80];
	_ =	sdelay $0x4  }
0xcd: {  	v56 =	vshrl.u32 v3, $0x3  }
0xce: {  	v4 =	vmul.u32 $0x30, v56  }
0xcf: {  	v3 =	vand.u32 $0x7, v3  }
0xd0: {  	v3 =	vor.u32 v3, v4  }
0xd1: {  	v4 =	vperm.xlane v3, v0;
	_ =	sdelay $0x1  }
0xd2: {  	v4 =	vadd.s32 v1, v4;
	_ =	sdelay $0x3  }
0xd3: {  	v3 =	vperm.xlane v3, v2  }
0xd4: {  	[tilespmem:s23], [sflag:$0x5] =	stream.indirect_vreg.gather [hbm4b:s1+s3], $0x80, v4, vm0, $0xb8;
	[tilespmem:$0x1E100] =	vst v63  }
0xd5: {  	s11 =	rddreg [dreg:$0x19];
	v3 =	vadd.s32 v1, v3  }
0xd6: {  	[tilespmem:s11], [sflag:$0x5] =	stream.indirect_vreg.gather [hbm4b:s5+s3], $0x80, v4, vm0, $0xb8;
	[tilespmem:$0x1E100] =	vst v63  }
0xd7: {  	s12 =	rddreg [dreg:$0x1a]  }
0xd8: {  	[tilespmem:s12], [sflag:$0x5] =	stream.indirect_vreg.gather [hbm4b:s6+s3], $0x80, v4, vm0, $0xb8;
	[tilespmem:$0x1E100] =	vst v63  }
0xd9: {  	s11 =	rddreg [dreg:$0x1b]  }
0xda: {  	[tilespmem:s11], [sflag:$0x5] =	stream.indirect_vreg.gather [hbm4b:s1+s3], $0x80, v3, vm0, $0xb8;
	[tilespmem:$0x1E100] =	vst v63  }
0xdb: {  	s12 =	rddreg [dreg:$0x1c]  }
0xdc: {  	[tilespmem:s12], [sflag:$0x5] =	stream.indirect_vreg.gather [hbm4b:s5+s3], $0x80, v3, vm0, $0xb8;
	[tilespmem:$0x1E100] =	vst v63  }
0xdd: {  	s11 =	rddreg [dreg:$0x1d]  }
0xde: {  	[tilespmem:s11], [sflag:$0x5] =	stream.indirect_vreg.gather [hbm4b:s6+s3], $0x80, v3, vm0, $0xb8;
	[tilespmem:$0x1E100] =	vst v63  }
0xdf: {  	v3 =	vld [tilespmem:$0x90];
	_ =	sdelay $0x4  }
0xe0: {  	v57 =	vshrl.u32 v3, $0x3  }
0xe1: {  	v4 =	vmul.u32 $0x30, v57  }
0xe2: {  	v3 =	vand.u32 $0x7, v3  }
0xe3: {  	v3 =	vor.u32 v3, v4  }
0xe4: {  	v4 =	vperm.xlane v3, v0;
	_ =	sdelay $0x1  }
0xe5: {  	v4 =	vadd.s32 v1, v4;
	_ =	sdelay $0x2  }
0xe6: {  	s12 =	rddreg [dreg:$0x1f]  }
0xe7: {  	s11 =	rddreg [dreg:$0x1e];
	v3 =	vperm.xlane v3, v2  }
0xe8: {  	[tilespmem:s11], [sflag:$0x5] =	stream.indirect_vreg.gather [hbm4b:s1+s3], $0x80, v4, vm0, $0xb8;
	[tilespmem:$0x1E100] =	vst v63  }
0xe9: {  	v3 =	vadd.s32 v1, v3;
	s11 =	sld [smem:$0x7FA]  }
0xea: {  	[tilespmem:s12], [sflag:$0x5] =	stream.indirect_vreg.gather [hbm4b:s5+s3], $0x80, v4, vm0, $0xb8;
	[tilespmem:$0x1E100] =	vst v63  }
0xeb: {  	s12 =	sld [smem:$0x7FB]  }
0xec: {  	[tilespmem:s11], [sflag:$0x5] =	stream.indirect_vreg.gather [hbm4b:s6+s3], $0x80, v4, vm0, $0xb8;
	[tilespmem:$0x1E100] =	vst v63  }
0xed: {  	s11 =	sld [smem:$0x7FC]  }
0xee: {  	[tilespmem:s12], [sflag:$0x5] =	stream.indirect_vreg.gather [hbm4b:s1+s3], $0x80, v3, vm0, $0xb8;
	[tilespmem:$0x1E100] =	vst v63  }
0xef: {  	s12 =	sld [smem:$0x7FD]  }
0xf0: {  	[tilespmem:s11], [sflag:$0x5] =	stream.indirect_vreg.gather [hbm4b:s5+s3], $0x80, v3, vm0, $0xb8;
	[tilespmem:$0x1E100] =	vst v63  }
0xf1: {  	_ = 	snop  }
0xf2: {  	[tilespmem:s12], [sflag:$0x5] =	stream.indirect_vreg.gather [hbm4b:s6+s3], $0x80, v3, vm0, $0xb8;
	[tilespmem:$0x1E100] =	vst v63  }
0xf3: {  	_ =	swait.ge [sflag:s25], $0x6000  }
0xf4: {  	[sflag:s25] =	ssyncset.done $0x0  }
0xf5: {  	s12 =	rddreg [dreg:$0x5];
	[sflag:s25] =	ssyncadd.s32 $0xFFFFA000  }
0xf6: {  	[hbm4b:s12+s3] =	stream.linear.scatter [tilespmem:s4], [sflag:$0x7], $0x6000, $0x38;
	[tilespmem:$0x1E100] =	vst v63  }
0xf7: {  	_ =	swait.ge [sflag:s26], $0x6000  }
0xf8: {  	[sflag:s26] =	ssyncset.done $0x0  }
0xf9: {  	[sflag:s26] =	ssyncadd.s32 $0xFFFFA000  }
0xfa: {  	v3 =	vld [tilespmem:$0xA0];
	_ =	sdelay $0x4  }
0xfb: {  	v58 =	vshrl.u32 v3, $0x3  }
0xfc: {  	v4 =	vmul.u32 $0x30, v58  }
0xfd: {  	v3 =	vand.u32 $0x7, v3  }
0xfe: {  	v3 =	vor.u32 v3, v4  }
0xff: {  	v4 =	vperm.xlane v3, v0;
	_ =	sdelay $0x1  }
0x100: {  	v4 =	vadd.s32 v1, v4;
	_ =	sdelay $0x3  }
0x101: {  	v3 =	vperm.xlane v3, v2  }
0x102: {  	[tilespmem:s21], [sflag:$0x1] =	stream.indirect_vreg.gather [hbm4b:s1+s3], $0x80, v4, vm0, $0xb8;
	[tilespmem:$0x1E100] =	vst v63  }
0x103: {  	v3 =	vadd.s32 v1, v3  }
0x104: {  	[tilespmem:s13], [sflag:$0x1] =	stream.indirect_vreg.gather [hbm4b:s5+s3], $0x80, v4, vm0, $0xb8;
	[tilespmem:$0x1E100] =	vst v63  }
0x105: {  	_ = 	snop  }
0x106: {  	[tilespmem:s14], [sflag:$0x1] =	stream.indirect_vreg.gather [hbm4b:s6+s3], $0x80, v4, vm0, $0xb8;
	[tilespmem:$0x1E100] =	vst v63  }
0x107: {  	_ = 	snop  }
0x108: {  	[tilespmem:s15], [sflag:$0x1] =	stream.indirect_vreg.gather [hbm4b:s1+s3], $0x80, v3, vm0, $0xb8;
	[tilespmem:$0x1E100] =	vst v63  }
0x109: {  	_ = 	snop  }
0x10a: {  	[tilespmem:s16], [sflag:$0x1] =	stream.indirect_vreg.gather [hbm4b:s5+s3], $0x80, v3, vm0, $0xb8;
	[tilespmem:$0x1E100] =	vst v63  }
0x10b: {  	_ = 	snop  }
0x10c: {  	[tilespmem:s17], [sflag:$0x1] =	stream.indirect_vreg.gather [hbm4b:s6+s3], $0x80, v3, vm0, $0xb8;
	[tilespmem:$0x1E100] =	vst v63  }
0x10d: {  	v3 =	vld [tilespmem:$0xB0];
	_ =	sdelay $0x4  }
0x10e: {  	v59 =	vshrl.u32 v3, $0x3  }
0x10f: {  	v4 =	vmul.u32 $0x30, v59  }
0x110: {  	v3 =	vand.u32 $0x7, v3  }
0x111: {  	v3 =	vor.u32 v3, v4  }
0x112: {  	v4 =	vperm.xlane v3, v0;
	_ =	sdelay $0x1  }
0x113: {  	v4 =	vadd.s32 v1, v4;
	_ =	sdelay $0x3  }
0x114: {  	v3 =	vperm.xlane v3, v2  }
0x115: {  	[tilespmem:s18], [sflag:$0x1] =	stream.indirect_vreg.gather [hbm4b:s1+s3], $0x80, v4, vm0, $0xb8;
	[tilespmem:$0x1E100] =	vst v63  }
0x116: {  	v3 =	vadd.s32 v1, v3  }
0x117: {  	[tilespmem:s19], [sflag:$0x1] =	stream.indirect_vreg.gather [hbm4b:s5+s3], $0x80, v4, vm0, $0xb8;
	[tilespmem:$0x1E100] =	vst v63  }
0x118: {  	_ = 	snop  }
0x119: {  	[tilespmem:s20], [sflag:$0x1] =	stream.indirect_vreg.gather [hbm4b:s6+s3], $0x80, v4, vm0, $0xb8;
	[tilespmem:$0x1E100] =	vst v63  }
0x11a: {  	_ = 	snop  }
0x11b: {  	[tilespmem:s22], [sflag:$0x1] =	stream.indirect_vreg.gather [hbm4b:s1+s3], $0x80, v3, vm0, $0xb8;
	[tilespmem:$0x1E100] =	vst v63  }
0x11c: {  	_ = 	snop  }
0x11d: {  	[tilespmem:s24], [sflag:$0x1] =	stream.indirect_vreg.gather [hbm4b:s5+s3], $0x80, v3, vm0, $0xb8;
	[tilespmem:$0x1E100] =	vst v63  }
0x11e: {  	_ = 	snop  }
0x11f: {  	[tilespmem:s8], [sflag:$0x1] =	stream.indirect_vreg.gather [hbm4b:s6+s3], $0x80, v3, vm0, $0xb8;
	[tilespmem:$0x1E100] =	vst v63  }
0x120: {  	_ =	swait.ge [sflag:s28], $0x6000  }
0x121: {  	[sflag:s28] =	ssyncset.done $0x0  }
0x122: {  	s8 =	rddreg [dreg:$0x6];
	[sflag:s28] =	ssyncadd.s32 $0xFFFFA000  }
0x123: {  	[hbm4b:s8+s3] =	stream.linear.scatter [tilespmem:s0], [sflag:$0x8], $0x6000, $0x38;
	[tilespmem:$0x1E100] =	vst v63  }
0x124: {  	_ =	swait.ge [sflag:s29], $0x6000  }
0x125: {  	[sflag:s29] =	ssyncset.done $0x0  }
0x126: {  	[sflag:s29] =	ssyncadd.s32 $0xFFFFA000  }
0x127: {  	v3 =	vld [tilespmem:$0xC0];
	_ =	sdelay $0x4  }
0x128: {  	v60 =	vshrl.u32 v3, $0x3  }
0x129: {  	v4 =	vmul.u32 $0x30, v60  }
0x12a: {  	v3 =	vand.u32 $0x7, v3  }
0x12b: {  	v3 =	vor.u32 v3, v4  }
0x12c: {  	v4 =	vperm.xlane v3, v0;
	_ =	sdelay $0x1  }
0x12d: {  	v4 =	vadd.s32 v1, v4;
	_ =	sdelay $0x3  }
0x12e: {  	v3 =	vperm.xlane v3, v2  }
0x12f: {  	[tilespmem:s4], [sflag:$0x2] =	stream.indirect_vreg.gather [hbm4b:s1+s3], $0x80, v4, vm0, $0xb8;
	[tilespmem:$0x1E100] =	vst v63  }
0x130: {  	v3 =	vadd.s32 v1, v3  }
0x131: {  	[tilespmem:s30], [sflag:$0x2] =	stream.indirect_vreg.gather [hbm4b:s5+s3], $0x80, v4, vm0, $0xb8;
	[tilespmem:$0x1E100] =	vst v63  }
0x132: {  	s12 =	simm.s32 $0x7100  }
0x133: {  	[tilespmem:s12], [sflag:$0x2] =	stream.indirect_vreg.gather [hbm4b:s6+s3], $0x80, v4, vm0, $0xb8;
	[tilespmem:$0x1E100] =	vst v63  }
0x134: {  	s13 =	simm.s32 $0x7900  }
0x135: {  	[tilespmem:s13], [sflag:$0x2] =	stream.indirect_vreg.gather [hbm4b:s1+s3], $0x80, v3, vm0, $0xb8;
	[tilespmem:$0x1E100] =	vst v63  }
0x136: {  	_ = 	snop  }
0x137: {  	[tilespmem:s10], [sflag:$0x2] =	stream.indirect_vreg.gather [hbm4b:s5+s3], $0x80, v3, vm0, $0xb8;
	[tilespmem:$0x1E100] =	vst v63  }
0x138: {  	s11 =	simm.s32 $0x8900  }
0x139: {  	[tilespmem:s11], [sflag:$0x2] =	stream.indirect_vreg.gather [hbm4b:s6+s3], $0x80, v3, vm0, $0xb8;
	[tilespmem:$0x1E100] =	vst v63  }
0x13a: {  	v3 =	vld [tilespmem:$0xD0];
	_ =	sdelay $0x4  }
0x13b: {  	v61 =	vshrl.u32 v3, $0x3  }
0x13c: {  	v4 =	vmul.u32 $0x30, v61  }
0x13d: {  	v3 =	vand.u32 $0x7, v3  }
0x13e: {  	v3 =	vor.u32 v3, v4  }
0x13f: {  	v4 =	vperm.xlane v3, v0;
	_ =	sdelay $0x1  }
0x140: {  	v4 =	vadd.s32 v1, v4;
	_ =	sdelay $0x3  }
0x141: {  	s12 =	simm.s32 $0x9100;
	v3 =	vperm.xlane v3, v2  }
0x142: {  	[tilespmem:s12], [sflag:$0x2] =	stream.indirect_vreg.gather [hbm4b:s1+s3], $0x80, v4, vm0, $0xb8;
	[tilespmem:$0x1E100] =	vst v63  }
0x143: {  	s13 =	simm.s32 $0x9900;
	v3 =	vadd.s32 v1, v3  }
0x144: {  	[tilespmem:s13], [sflag:$0x2] =	stream.indirect_vreg.gather [hbm4b:s5+s3], $0x80, v4, vm0, $0xb8;
	[tilespmem:$0x1E100] =	vst v63  }
0x145: {  	s11 =	simm.s32 $0xA100  }
0x146: {  	[tilespmem:s11], [sflag:$0x2] =	stream.indirect_vreg.gather [hbm4b:s6+s3], $0x80, v4, vm0, $0xb8;
	[tilespmem:$0x1E100] =	vst v63  }
0x147: {  	s12 =	simm.s32 $0xA900  }
0x148: {  	[tilespmem:s12], [sflag:$0x2] =	stream.indirect_vreg.gather [hbm4b:s1+s3], $0x80, v3, vm0, $0xb8;
	[tilespmem:$0x1E100] =	vst v63  }
0x149: {  	s13 =	simm.s32 $0xB100  }
0x14a: {  	[tilespmem:s13], [sflag:$0x2] =	stream.indirect_vreg.gather [hbm4b:s5+s3], $0x80, v3, vm0, $0xb8;
	[tilespmem:$0x1E100] =	vst v63  }
0x14b: {  	s11 =	simm.s32 $0xB900;
	s12 =	simm.s32 $0x4  }
0x14c: {  	[tilespmem:s11], [sflag:$0x2] =	stream.indirect_vreg.gather [hbm4b:s6+s3], $0x80, v3, vm0, $0xb8;
	[tilespmem:$0x1E100] =	vst v63  }
0x14d: {  	_ =	swait.ge [sflag:s12], $0x6000  }
0x14e: {  	[sflag:s12] =	ssyncset.done $0x0  }
0x14f: {  	s13 =	rddreg [dreg:$0x7];
	[sflag:s12] =	ssyncadd.s32 $0xFFFFA000  }
0x150: {  	[hbm4b:s13+s3] =	stream.linear.scatter [tilespmem:s2], [sflag:$0x9], $0x6000, $0x38;
	[tilespmem:$0x1E100] =	vst v63  }
0x151: {  	_ =	swait.ge [sflag:s31], $0x6000  }
0x152: {  	[sflag:s31] =	ssyncset.done $0x0  }
0x153: {  	[sflag:s31] =	ssyncadd.s32 $0xFFFFA000  }
0x154: {  	v3 =	vld [tilespmem:$0xE0];
	_ =	sdelay $0x4  }
0x155: {  	v62 =	vshrl.u32 v3, $0x3  }
0x156: {  	v4 =	vmul.u32 $0x30, v62  }
0x157: {  	v3 =	vand.u32 $0x7, v3  }
0x158: {  	v3 =	vor.u32 v3, v4  }
0x159: {  	v4 =	vperm.xlane v3, v0;
	_ =	sdelay $0x1  }
0x15a: {  	v4 =	vadd.s32 v1, v4;
	_ =	sdelay $0x3  }
0x15b: {  	v3 =	vperm.xlane v3, v2  }
0x15c: {  	[tilespmem:s0], [sflag:$0x3] =	stream.indirect_vreg.gather [hbm4b:s1+s3], $0x80, v4, vm0, $0xb8;
	[tilespmem:$0x1E100] =	vst v63  }
0x15d: {  	s12 =	simm.s32 $0xC900;
	v3 =	vadd.s32 v1, v3  }
0x15e: {  	[tilespmem:s12], [sflag:$0x3] =	stream.indirect_vreg.gather [hbm4b:s5+s3], $0x80, v4, vm0, $0xb8;
	[tilespmem:$0x1E100] =	vst v63  }
0x15f: {  	s13 =	simm.s32 $0xD100  }
0x160: {  	[tilespmem:s13], [sflag:$0x3] =	stream.indirect_vreg.gather [hbm4b:s6+s3], $0x80, v4, vm0, $0xb8;
	[tilespmem:$0x1E100] =	vst v63  }
0x161: {  	s8 =	simm.s32 $0xD900  }
0x162: {  	[tilespmem:s8], [sflag:$0x3] =	stream.indirect_vreg.gather [hbm4b:s1+s3], $0x80, v3, vm0, $0xb8;
	[tilespmem:$0x1E100] =	vst v63  }
0x163: {  	s11 =	simm.s32 $0xE100  }
0x164: {  	[tilespmem:s11], [sflag:$0x3] =	stream.indirect_vreg.gather [hbm4b:s5+s3], $0x80, v3, vm0, $0xb8;
	[tilespmem:$0x1E100] =	vst v63  }
0x165: {  	s12 =	simm.s32 $0xE900  }
0x166: {  	[tilespmem:s12], [sflag:$0x3] =	stream.indirect_vreg.gather [hbm4b:s6+s3], $0x80, v3, vm0, $0xb8;
	[tilespmem:$0x1E100] =	vst v63  }
0x167: {  	v3 =	vld [tilespmem:$0xF0];
	_ =	sdelay $0x4  }
0x168: {  	v63 =	vshrl.u32 v3, $0x3  }
0x169: {  	v4 =	vmul.u32 $0x30, v63  }
0x16a: {  	v3 =	vand.u32 $0x7, v3  }
0x16b: {  	v3 =	vor.u32 v3, v4  }
0x16c: {  	v4 =	vperm.xlane v3, v0;
	_ =	sdelay $0x1  }
0x16d: {  	v4 =	vadd.s32 v1, v4;
	_ =	sdelay $0x3  }
0x16e: {  	s13 =	simm.s32 $0xF100;
	v3 =	vperm.xlane v3, v2  }
0x16f: {  	[tilespmem:s13], [sflag:$0x3] =	stream.indirect_vreg.gather [hbm4b:s1+s3], $0x80, v4, vm0, $0xb8;
	[tilespmem:$0x1E100] =	vst v63  }
0x170: {  	s8 =	simm.s32 $0xF900;
	v3 =	vadd.s32 v1, v3  }
0x171: {  	[tilespmem:s8], [sflag:$0x3] =	stream.indirect_vreg.gather [hbm4b:s5+s3], $0x80, v4, vm0, $0xb8;
	[tilespmem:$0x1E100] =	vst v63  }
0x172: {  	s11 =	simm.s32 $0x10100  }
0x173: {  	[tilespmem:s11], [sflag:$0x3] =	stream.indirect_vreg.gather [hbm4b:s6+s3], $0x80, v4, vm0, $0xb8;
	[tilespmem:$0x1E100] =	vst v63  }
0x174: {  	s12 =	simm.s32 $0x10900  }
0x175: {  	[tilespmem:s12], [sflag:$0x3] =	stream.indirect_vreg.gather [hbm4b:s1+s3], $0x80, v3, vm0, $0xb8;
	[tilespmem:$0x1E100] =	vst v63  }
0x176: {  	s13 =	simm.s32 $0x11100  }
0x177: {  	[tilespmem:s13], [sflag:$0x3] =	stream.indirect_vreg.gather [hbm4b:s5+s3], $0x80, v3, vm0, $0xb8;
	[tilespmem:$0x1E100] =	vst v63  }
0x178: {  	s8 =	simm.s32 $0x11900;
	s11 =	simm.s32 $0x5  }
0x179: {  	[tilespmem:s8], [sflag:$0x3] =	stream.indirect_vreg.gather [hbm4b:s6+s3], $0x80, v3, vm0, $0xb8;
	[tilespmem:$0x1E100] =	vst v63  }
0x17a: {  	_ =	swait.ge [sflag:s11], $0x6000  }
0x17b: {  	[sflag:s11] =	ssyncset.done $0x0  }
0x17c: {  	s12 =	rddreg [dreg:$0x8];
	[sflag:s11] =	ssyncadd.s32 $0xFFFFA000  }
0x17d: {  	[hbm4b:s12+s3] =	stream.linear.scatter [tilespmem:s23], [sflag:$0xA], $0x6000, $0x38;
	[tilespmem:$0x1E100] =	vst v63  }
0x17e: {  	_ =	swait.ge [sflag:s9], $0x6000  }
0x17f: {  	[sflag:s9] =	ssyncset.done $0x0  }
0x180: {  	s13 =	rddreg [dreg:$0x9];
	[sflag:s9] =	ssyncadd.s32 $0xFFFFA000  }
0x181: {  	[hbm4b:s13+s3] =	stream.linear.scatter [tilespmem:s21], [sflag:$0x6], $0x6000, $0x38;
	[tilespmem:$0x1E100] =	vst v63  }
0x182: {  	_ =	swait.ge [sflag:s25], $0x6000  }
0x183: {  	[sflag:s25] =	ssyncset.done $0x0  }
0x184: {  	s2 =	rddreg [dreg:$0xa];
	[sflag:s25] =	ssyncadd.s32 $0xFFFFA000  }
0x185: {  	[hbm4b:s2+s3] =	stream.linear.scatter [tilespmem:s4], [sflag:$0x7], $0x6000, $0x38;
	[tilespmem:$0x1E100] =	vst v63  }
0x186: {  	_ =	swait.ge [sflag:s28], $0x6000  }
0x187: {  	[sflag:s28] =	ssyncset.done $0x0  }
0x188: {  	s12 =	simm.s32 $0x9;
	s8 =	rddreg [dreg:$0xb];
	[sflag:s28] =	ssyncadd.s32 $0xFFFFA000  }
0x189: {  	[hbm4b:s8+s3] =	stream.linear.scatter [tilespmem:s0], [sflag:$0x8], $0x6000, $0x38;
	[tilespmem:$0x1E100] =	vst v63  }
0x18a: {  	_ =	swait.ge [sflag:s12], $0x6000  }
0x18b: {  	[sflag:s12] =	ssyncset.done $0x0  }
0x18c: {  	s13 =	simm.s32 $0xA;
	[sflag:s12] =	ssyncadd.s32 $0xFFFFA000  }
0x18d: {  	_ =	swait.ge [sflag:s13], $0x6000  }
0x18e: {  	[sflag:s13] =	ssyncset.done $0x0  }
0x18f: {  	[sflag:s13] =	ssyncadd.s32 $0xFFFFA000  }
0x190: {  	_ =	swait.ge [sflag:s26], $0x6000  }
0x191: {  	[sflag:s26] =	ssyncset.done $0x0  }
0x192: {  	[sflag:s26] =	ssyncadd.s32 $0xFFFFA000  }
0x193: {  	p0 =	sne.s32 s7, $0x1;
	_ =	swait.ge [sflag:s29], $0x6000  }
.Ltmp0:
0x194: {  	[sflag:s29] =	ssyncset.done $0x0;
	(pc) =	sbr.rel @p0 .LBB2_1-.Ltmp0, $4  }
0x195: {  	[sflag:s29] =	ssyncadd.s32 $0xFFFFA000  }
0x196: {  	_ =	swait.ge [sflag:s31], $0x6000  }
0x197: {  	[sflag:s31] =	ssyncset.done $0x0  }
0x198: {  	s7 =	sadd.s32 $0xFFFFFFFF, s7;
	[sflag:s31] =	ssyncadd.s32 $0xFFFFA000  }
0x199: {  	_ =	sfence.sel $0x180000  }
0x19a: {  	[bflag:$0x0] =	sbarrier.arrive $0xFFFF  }
0x19b: {  	_ =	strace $0x90000047  }
0x19c: {  	s0 =	stileid.u32;
	[bflag:$0x2] =	sbarrier.arrive $0xFFFF  }
0x19d: {  	p0 =	sne.s32 s0, $0x0;
	s0 =	rddreg [dreg:$0x3]  }
0x19e: {  	s0 =	sadd.s32 @!p0 $0x100000, s0  }
0x19f: {  	[sflag:s0] =	ssyncadd.tile.s32 @!p0 $0x1;
	_ =	shalt  }
.Lfunc_end2:
_tile_overlayer_lowered:
.L_overlay_start_2:
0x1a0: {  	(tag) =	ssettag $0x2  }
0x1a1: {  	s0 =	rddreg [dreg:$0x0];
	s2 =	stileid.u32  }
0x1a2: {  	s1 =	rddreg [dreg:$0x1];
	p0 =	sne.s32 s2, $0x0  }
0x1a3: {  	s3 =	rddreg [dreg:$0x2];
	[bflag:$0x3] =	sbarrier.arrive $0xFFFF;
	s2 =	simm.s32 @!p0 $0x1C0B  }
0x1a4: {  	[timem:s3], [sflag:s2] =	dma.local @!p0 [hbm:s0], s1  }
0x1a5: {  	s0 =	simm.s32 @!p0 $0xB  }
0x1a6: {  	_ =	swait.ge @!p0 [sflag:s0], s1  }
0x1a7: {  	s1 =	ssub.s32 @!p0 $0x0, s1;
	[sflag:s0] =	ssyncset.done @!p0 $0x0  }
0x1a8: {  	[sflag:s0] =	ssyncadd.s32 @!p0 s1  }
0x1a9: {  	[bflag:$0x3] =	sbarrier.arrive $0xFFFF  }
0x1aa: {  	_ =	shalt  }

</sc_bundles>
